<compile_context>
chip_gen: v7x
topology: tpu7x:2x2x1
jax: 0.10.2.dev20260603
libtpu: 0.0.44.dev20260713+nightly
codegen_flags: <defaults>
</compile_context>

<pallas_src>
import functools

import jax
import jax.numpy as jnp
from jax import lax
from jax.experimental import pallas as pl
from jax.experimental.pallas import tpu as pltpu
from jax.experimental.pallas import tpu_sc as plsc

N, C, W, H = 8, 96, 384, 384
RED = 96
OUT_W = 192

CB = 16

NC_SC = 2
NS_SC = 16
NWORK = NC_SC * NS_SC
PAIRS = N * C
PAIRS_PER_W = PAIRS // NWORK
G_CHUNK = 64
N_CHUNKS = OUT_W // G_CHUNK


def _maxpool_body(x_ref, o_ref):
    c = pl.program_id(1)
    m = jnp.max(x_ref[0], axis=(0, 2))[None, None, :]

    @pl.when(c == 0)
    def _():
        o_ref[...] = m

    @pl.when(c > 0)
    def _():
        o_ref[...] = jnp.maximum(o_ref[...], m)


def _max_pool(x):
    return pl.pallas_call(
        _maxpool_body,
        grid=(N, C // CB),
        in_specs=[pl.BlockSpec((1, CB, W, H), lambda n, c: (n, c, 0, 0))],
        out_specs=pl.BlockSpec((1, 1, W), lambda n, c: (n, 0, 0)),
        out_shape=jax.ShapeDtypeStruct((N, 1, W), jnp.float32),
    )(x).reshape(N, W)




def _mlp_topk_body(v_ref, w1_ref, b1_ref, g_ref, be_ref, w2_ref, b2_ref,
                   idx_ref):
    hi = lax.Precision.HIGHEST
    vv = v_ref[...]
    h = lax.dot_general(vv, w1_ref[...], (((1,), (1,)), ((), ())),
                        preferred_element_type=jnp.float32) + b1_ref[...]
    mean = jnp.mean(h, axis=0, keepdims=True)
    d = h - mean
    var = jnp.mean(d * d, axis=0, keepdims=True)
    hn = d / jnp.sqrt(var + 1e-5) * g_ref[...] + be_ref[...]
    hr = jnp.maximum(hn, 0.0)
    a = lax.dot_general(hr, w2_ref[...], (((1,), (1,)), ((), ())),
                        preferred_element_type=jnp.float32) + b2_ref[...]

    ii_l = lax.broadcasted_iota(jnp.int32, (W, W), 1)
    jj_s = lax.broadcasted_iota(jnp.int32, (W, W), 0)
    eye = (ii_l == jj_s).astype(jnp.float32)
    u_strict = (jj_s < ii_l).astype(jnp.float32)
    at = lax.dot_general(eye, a, (((1,), (1,)), ((), ())),
                         precision=hi, preferred_element_type=jnp.float32)
    irow = lax.broadcasted_iota(jnp.int32, (1, W), 1).astype(jnp.float32)
    kk_l = lax.broadcasted_iota(jnp.int32, (W, OUT_W), 1).astype(jnp.float32)

    for n in range(N):
        ai = a[n:n + 1, :]
        aj = at[:, n:n + 1]
        beats = (aj > ai) | ((aj == ai) & (jj_s < ii_l))
        rank = jnp.sum(beats.astype(jnp.float32), axis=0)[None, :]
        sel = (rank < float(OUT_W)).astype(jnp.float32)
        pos = lax.dot_general(sel, u_strict, (((1,), (0,)), ((), ())),
                              precision=hi,
                              preferred_element_type=jnp.float32)
        pc = lax.dot_general(eye, pos, (((1,), (1,)), ((), ())),
                             precision=hi,
                             preferred_element_type=jnp.float32)
        sc = lax.dot_general(eye, sel, (((1,), (1,)), ((), ())),
                             precision=hi,
                             preferred_element_type=jnp.float32)
        onehot = jnp.where((pc == kk_l) & (sc > 0.5), 1.0, 0.0)
        idxrow = lax.dot_general(irow, onehot, (((1,), (0,)), ((), ())),
                                 precision=hi,
                                 preferred_element_type=jnp.float32)
        idx_ref[n:n + 1, :] = idxrow.astype(jnp.int32)


def _mlp_topk(v, W1, b1, gamma, beta, W2, b2):
    return pl.pallas_call(
        _mlp_topk_body,
        out_shape=jax.ShapeDtypeStruct((N, OUT_W), jnp.int32),
    )(v, W1, b1.reshape(1, RED), gamma.reshape(1, RED), beta.reshape(1, RED),
      W2, b2.reshape(1, W))


NBUF = 4
CHUNKS_PER_W = PAIRS_PER_W * N_CHUNKS
SUPERS = CHUNKS_PER_W // NBUF


def _sc_gather_body(x_hbm, idx_hbm, out_hbm, idxraw_v, idxc_v, rows_v,
                    gs0, gs1, gs2, gs3, ss0, ss1, ss2, ss3):
    cid = lax.axis_index("c")
    sid = lax.axis_index("s")
    wid = sid * NC_SC + cid
    gsems = [gs0, gs1, gs2, gs3]
    ssems = [ss0, ss1, ss2, ss3]

    n_w = wid // (C // PAIRS_PER_W)
    pltpu.sync_copy(idx_hbm.at[n_w], idxraw_v)

    def out_off(g):
        j = g // N_CHUNKS
        q = g % N_CHUNKS
        return (wid * PAIRS_PER_W + j) * OUT_W + q * G_CHUNK

    def fire_gather(g, bb):
        j = g // N_CHUNKS
        q = g % N_CHUNKS
        base = (wid * PAIRS_PER_W + j) * W
        for t in range(G_CHUNK // 16):
            idxc_v[bb, pl.ds(t * 16, 16)] = (
                idxraw_v[pl.ds(q * G_CHUNK + t * 16, 16)] + base)
        pltpu.async_copy(x_hbm.at[idxc_v.at[bb]], rows_v.at[bb], gsems[bb])

    def drain_gather(bb):
        pltpu.make_async_copy(x_hbm.at[idxc_v.at[bb]], rows_v.at[bb],
                              gsems[bb]).wait()

    def drain_store(bb):
        pltpu.make_async_copy(rows_v.at[bb], out_hbm.at[pl.ds(0, G_CHUNK)],
                              ssems[bb]).wait()

    def fire_store(g, bb):
        pltpu.async_copy(rows_v.at[bb], out_hbm.at[pl.ds(out_off(g), G_CHUNK)],
                         ssems[bb])

    def super_body(s, carry):
        for bb in range(NBUF):
            g = s * NBUF + bb

            @pl.when(s > 0)
            def _():
                drain_store(bb)

            fire_gather(g, bb)
            pb = (bb + NBUF - 1) % NBUF
            if bb == 0:
                @pl.when(s > 0)
                def _():
                    drain_gather(pb)
                    fire_store(g - 1, pb)
            else:
                drain_gather(pb)
                fire_store(g - 1, pb)
        return carry

    lax.fori_loop(0, SUPERS, super_body, 0)
    last = CHUNKS_PER_W - 1
    lb = last % NBUF
    drain_gather(lb)
    fire_store(last, lb)
    for bb in range(NBUF):
        drain_store(bb)


def _sc_gather(x2d, idx):
    mesh = plsc.VectorSubcoreMesh(core_axis_name="c", subcore_axis_name="s")
    run = functools.partial(
        pl.kernel,
        out_type=jax.ShapeDtypeStruct((PAIRS * OUT_W, H), jnp.float32),
        mesh=mesh,
        scratch_types=[
            pltpu.VMEM((OUT_W,), jnp.int32),
            pltpu.VMEM((NBUF, G_CHUNK), jnp.int32),
            pltpu.VMEM((NBUF, G_CHUNK, H), jnp.float32),
            pltpu.SemaphoreType.DMA,
            pltpu.SemaphoreType.DMA,
            pltpu.SemaphoreType.DMA,
            pltpu.SemaphoreType.DMA,
            pltpu.SemaphoreType.DMA,
            pltpu.SemaphoreType.DMA,
            pltpu.SemaphoreType.DMA,
            pltpu.SemaphoreType.DMA,
        ],
    )(_sc_gather_body)
    return run(x2d, idx)


def kernel(x, W1, b1, gamma, beta, W2, b2):
    v = _max_pool(x)
    idx = _mlp_topk(v, W1, b1, gamma, beta, W2, b2)
    pooled = _sc_gather(x.reshape(N * C * W, H), idx)
    return pooled.reshape(N, C, OUT_W, H)

# --- scband reference (transcript-rebuilt; emitter-appended) ---
"""Pipeline reference for scband-attention-pool-v1-25168508355180 (READ-ONLY COPY).

The authoritative reference and input builder live on the scoring server;
editing this copy changes nothing except your own understanding.
"""

import jax, jax.numpy as jnp
import numpy as np

N, C, W, H = 8, 96, 384, 384
RED = 96
OUT_W = 192

def setup_inputs(seed: int = 0) -> dict:
    key = jax.random.key(seed)
    ks = jax.random.split(key, 4)
    x = jax.random.normal(ks[0], (N, C, W, H), dtype=jnp.float32)
    W1 = jax.random.normal(ks[1], (RED, W), dtype=jnp.float32) * (1.0 / np.sqrt(W))
    b1 = jnp.zeros((RED,), jnp.float32)
    gamma = jnp.ones((RED,), jnp.float32)
    beta = jnp.zeros((RED,), jnp.float32)
    W2 = jax.random.normal(ks[2], (W, RED), dtype=jnp.float32) * (1.0 / np.sqrt(RED))
    b2 = jnp.zeros((W,), jnp.float32)
    return {"x": x, "W1": W1, "b1": b1, "gamma": gamma, "beta": beta, "W2": W2, "b2": b2}

def reference(x, W1, b1, gamma, beta, W2, b2):
    # attention_dim == 2: attention & pool over width
    att = jnp.transpose(x, (0, 2, 1, 3))          # [N, W, C, H]
    v = jnp.max(att, axis=(2, 3))                 # AdaptiveMaxPool2d((1,1)) + Flatten -> [N, W]
    h = v @ W1.T + b1                             # Linear(W, RED)
    mean = jnp.mean(h, axis=0)                    # BatchNorm1d (training-mode batch stats)
    var = jnp.var(h, axis=0)
    h = (h - mean) / jnp.sqrt(var + 1e-5) * gamma + beta
    h = jax.nn.relu(h)
    logits = h @ W2.T + b2                        # Linear(RED, W)
    att_vec = jax.nn.softmax(logits, axis=1)      # [N, W]
    _, idx = jax.lax.top_k(att_vec, OUT_W)        # topk over width
    idx = jnp.sort(idx, axis=1)                   # sort indices ascending
    pooled = jnp.take_along_axis(x, idx[:, None, :, None], axis=2)  # [N, C, OUT_W, H]
    return pooled

if __name__ == "__main__":
    import jax
    _d = setup_inputs()
    print(jax.jit(kernel)(*tuple(_d.values())))

</pallas_src>

<mosaic_0001>
#map = affine_map<(d0, d1) -> (0, 0)>
module attributes {stable_mosaic.version = 14 : i64} {
  func.func @_sc_gather_body(%arg0: i32, %arg1: i32, %arg2: memref<294912x384xf32, #tpu.memory_space<hbm>>, %arg3: memref<8x192xi32, #tpu.memory_space<hbm>>, %arg4: memref<147456x384xf32, #tpu.memory_space<hbm>>, %arg5: memref<192xi32, #tpu.memory_space<vmem>>, %arg6: memref<4x64xi32, #tpu.memory_space<vmem>>, %arg7: memref<4x64x384xf32, #tpu.memory_space<vmem>>, %arg8: memref<!tpu.dma_semaphore, #tpu.memory_space<semaphore_mem>>, %arg9: memref<!tpu.dma_semaphore, #tpu.memory_space<semaphore_mem>>, %arg10: memref<!tpu.dma_semaphore, #tpu.memory_space<semaphore_mem>>, %arg11: memref<!tpu.dma_semaphore, #tpu.memory_space<semaphore_mem>>, %arg12: memref<!tpu.dma_semaphore, #tpu.memory_space<semaphore_mem>>, %arg13: memref<!tpu.dma_semaphore, #tpu.memory_space<semaphore_mem>>, %arg14: memref<!tpu.dma_semaphore, #tpu.memory_space<semaphore_mem>>, %arg15: memref<!tpu.dma_semaphore, #tpu.memory_space<semaphore_mem>>) attributes {dimension_semantics = [#tpu.dimension_semantics<core_parallel>, #tpu.dimension_semantics<subcore_parallel>], iteration_bounds = array<i64: 2, 16>, scalar_prefetch = 0 : i64, scratch_operands = 11 : i64, tpu.core_type = #tpu.core_type<sc_vector_subcore>, window_params = [{transform_indices = #map}, {transform_indices = #map}, {transform_indices = #map}]} {
    %mul3A = arith.constant 2 : i32
    %mul3A_0 = arith.muli %arg1, %mul3A : i32
    %add3A = arith.addi %mul3A_0, %arg0 : i32
    %jit3A = arith.constant 4 : i32
    %div3A = arith.divsi %add3A, %jit3A : i32
    %sign3A = arith.constant 0 : i32
    %sign3A_1 = arith.cmpi sgt, %add3A, %sign3A : i32
    %sign3A_2 = arith.extui %sign3A_1 : i1 to i32
    %sign3A_3 = arith.constant 0 : i32
    %sign3A_4 = arith.cmpi slt, %add3A, %sign3A_3 : i32
    %sign3A_5 = arith.extui %sign3A_4 : i1 to i32
    %sign3A_6 = arith.subi %sign3A_2, %sign3A_5 : i32
    %sign3A_7 = arith.constant 0 : i32
    %sign3A_8 = arith.cmpi sgt, %jit3A, %sign3A_7 : i32
    %sign3A_9 = arith.extui %sign3A_8 : i1 to i32
    %sign3A_10 = arith.constant 0 : i32
    %sign3A_11 = arith.cmpi slt, %jit3A, %sign3A_10 : i32
    %sign3A_12 = arith.extui %sign3A_11 : i1 to i32
    %sign3A_13 = arith.subi %sign3A_9, %sign3A_12 : i32
    %ne3A = arith.cmpi ne, %sign3A_6, %sign3A_13 : i32
    %rem3A = arith.remsi %add3A, %jit3A : i32
    %ne3A_14 = arith.constant 0 : i32
    %ne3A_15 = arith.cmpi ne, %rem3A, %ne3A_14 : i32
    %and3A = arith.andi %ne3A, %ne3A_15 : i1
    %sub3A = arith.constant 1 : i32
    %sub3A_16 = arith.subi %div3A, %sub3A : i32
    %select_n3A = arith.select %and3A, %sub3A_16, %div3A : i32
    "tpu.region"() ({
      %run_scoped3A = tpu.sem_alloc : memref<!tpu.dma_semaphore, #tpu.memory_space<semaphore_mem>>
      %dma_start3A_113 = arith.constant 0 : i32
      %dma_start3A_114 = tpu.memref_slice %arg3[%select_n3A, %dma_start3A_113] : memref<8x192xi32, #tpu.memory_space<hbm>> -> memref<1x192xi32, #tpu.memory_space<hbm>>
      %dma_start3A_115 = tpu.memref_squeeze %dma_start3A_114 : memref<1x192xi32, #tpu.memory_space<hbm>> -> memref<192xi32, #tpu.memory_space<hbm>>
      %dma_start3A_116 = arith.constant 0 : i32
      %dma_start3A_117 = tpu.memref_slice %arg3[%select_n3A, %dma_start3A_116] : memref<8x192xi32, #tpu.memory_space<hbm>> -> memref<1x192xi32, #tpu.memory_space<hbm>>
      %dma_start3A_118 = tpu.memref_squeeze %dma_start3A_117 : memref<1x192xi32, #tpu.memory_space<hbm>> -> memref<192xi32, #tpu.memory_space<hbm>>
      tpu.enqueue_dma source(%dma_start3A_118 : memref<192xi32, #tpu.memory_space<hbm>>) target(%arg5 : memref<192xi32, #tpu.memory_space<vmem>>) target_semaphore(%run_scoped3A : memref<!tpu.dma_semaphore, #tpu.memory_space<semaphore_mem>>)
      %dma_wait3A_119 = arith.constant 0 : i32
      %dma_wait3A_120 = tpu.memref_slice %arg3[%select_n3A, %dma_wait3A_119] : memref<8x192xi32, #tpu.memory_space<hbm>> -> memref<1x192xi32, #tpu.memory_space<hbm>>
      %dma_wait3A_121 = tpu.memref_squeeze %dma_wait3A_120 : memref<1x192xi32, #tpu.memory_space<hbm>> -> memref<192xi32, #tpu.memory_space<hbm>>
      %dma_wait3A_122 = arith.constant 0 : i32
      %dma_wait3A_123 = tpu.memref_slice %arg3[%select_n3A, %dma_wait3A_122] : memref<8x192xi32, #tpu.memory_space<hbm>> -> memref<1x192xi32, #tpu.memory_space<hbm>>
      %dma_wait3A_124 = tpu.memref_squeeze %dma_wait3A_123 : memref<1x192xi32, #tpu.memory_space<hbm>> -> memref<192xi32, #tpu.memory_space<hbm>>
      tpu.wait_dma2 semaphore(%run_scoped3A : memref<!tpu.dma_semaphore, #tpu.memory_space<semaphore_mem>>) src(%dma_wait3A_124 : memref<192xi32, #tpu.memory_space<hbm>>) dst(%arg5 : memref<192xi32, #tpu.memory_space<vmem>>)
      tpu.yield
    }) : () -> ()
    %scan3A = arith.constant 0 : i32
    %scan3A_17 = arith.constant 0 : i32
    %scan3A_18 = arith.constant 18 : i32
    %scan3A_19 = arith.addi %scan3A_17, %scan3A_18 : i32
    %scan3A_20 = arith.constant 1 : i32
    scf.for %scan3A_113 = %scan3A_17 to %scan3A_19 step %scan3A_20  : i32 {
      %mul3A_114 = arith.constant 4 : i32
      %mul3A_115 = arith.muli %scan3A_113, %mul3A_114 : i32
      %add3A_116 = arith.constant 0 : i32
      %add3A_117 = arith.addi %mul3A_115, %add3A_116 : i32
      %gt3A = arith.constant 0 : i32
      %gt3A_118 = arith.cmpi sgt, %scan3A_113, %gt3A : i32
      %convert_element_type3A = arith.extui %gt3A_118 : i1 to i32
      %cond3A = arith.constant 0 : i32
      %cond3A_119 = arith.cmpi ne, %convert_element_type3A, %cond3A : i32
      scf.if %cond3A_119 {
        %dma_wait3A_841 = arith.constant 0 : i32
        %dma_wait3A_842 = arith.constant 0 : i32
        %dma_wait3A_843 = arith.constant 0 : i32
        %dma_wait3A_844 = tpu.memref_slice %arg7[%dma_wait3A_841, %dma_wait3A_842, %dma_wait3A_843] : memref<4x64x384xf32, #tpu.memory_space<vmem>> -> memref<1x64x384xf32, #tpu.memory_space<vmem>>
        %dma_wait3A_845 = tpu.memref_squeeze %dma_wait3A_844 : memref<1x64x384xf32, #tpu.memory_space<vmem>> -> memref<64x384xf32, #tpu.memory_space<vmem>>
        %dma_wait3A_846 = arith.constant 0 : i32
        %dma_wait3A_847 = arith.constant 0 : i32
        %dma_wait3A_848 = tpu.memref_slice %arg4[%dma_wait3A_846, %dma_wait3A_847] : memref<147456x384xf32, #tpu.memory_space<hbm>> -> memref<64x384xf32, #tpu.memory_space<hbm>>
        %dma_wait3A_849 = arith.constant 0 : i32
        %dma_wait3A_850 = arith.constant 0 : i32
        %dma_wait3A_851 = tpu.memref_slice %arg4[%dma_wait3A_849, %dma_wait3A_850] : memref<147456x384xf32, #tpu.memory_space<hbm>> -> memref<64x384xf32, #tpu.memory_space<hbm>>
        %dma_wait3A_852 = arith.constant 0 : i32
        %dma_wait3A_853 = arith.constant 0 : i32
        %dma_wait3A_854 = tpu.memref_slice %arg7[%dma_wait3A_841, %dma_wait3A_852, %dma_wait3A_853] : memref<4x64x384xf32, #tpu.memory_space<vmem>> -> memref<1x64x384xf32, #tpu.memory_space<vmem>>
        %dma_wait3A_855 = tpu.memref_squeeze %dma_wait3A_854 : memref<1x64x384xf32, #tpu.memory_space<vmem>> -> memref<64x384xf32, #tpu.memory_space<vmem>>
        tpu.wait_dma2 semaphore(%arg12 : memref<!tpu.dma_semaphore, #tpu.memory_space<semaphore_mem>>) src(%dma_wait3A_855 : memref<64x384xf32, #tpu.memory_space<vmem>>) dst(%dma_wait3A_851 : memref<64x384xf32, #tpu.memory_space<hbm>>)
      } else {
      }
      %jit3A_120 = arith.constant 3 : i32
      %div3A_121 = arith.divsi %add3A_117, %jit3A_120 : i32
      %sign3A_122 = arith.constant 0 : i32
      %sign3A_123 = arith.cmpi sgt, %add3A_117, %sign3A_122 : i32
      %sign3A_124 = arith.extui %sign3A_123 : i1 to i32
      %sign3A_125 = arith.constant 0 : i32
      %sign3A_126 = arith.cmpi slt, %add3A_117, %sign3A_125 : i32
      %sign3A_127 = arith.extui %sign3A_126 : i1 to i32
      %sign3A_128 = arith.subi %sign3A_124, %sign3A_127 : i32
      %sign3A_129 = arith.constant 0 : i32
      %sign3A_130 = arith.cmpi sgt, %jit3A_120, %sign3A_129 : i32
      %sign3A_131 = arith.extui %sign3A_130 : i1 to i32
      %sign3A_132 = arith.constant 0 : i32
      %sign3A_133 = arith.cmpi slt, %jit3A_120, %sign3A_132 : i32
      %sign3A_134 = arith.extui %sign3A_133 : i1 to i32
      %sign3A_135 = arith.subi %sign3A_131, %sign3A_134 : i32
      %ne3A_136 = arith.cmpi ne, %sign3A_128, %sign3A_135 : i32
      %rem3A_137 = arith.remsi %add3A_117, %jit3A_120 : i32
      %ne3A_138 = arith.constant 0 : i32
      %ne3A_139 = arith.cmpi ne, %rem3A_137, %ne3A_138 : i32
      %and3A_140 = arith.andi %ne3A_136, %ne3A_139 : i1
      %sub3A_141 = arith.constant 1 : i32
      %sub3A_142 = arith.subi %div3A_121, %sub3A_141 : i32
      %select_n3A_143 = arith.select %and3A_140, %sub3A_142, %div3A_121 : i32
      %jit3A_144 = arith.constant 3 : i32
      %eq3A = arith.constant 0 : i32
      %eq3A_145 = arith.cmpi eq, %jit3A_144, %eq3A : i32
      %jit3A_146 = arith.constant 1 : i32
      %select_n3A_147 = arith.select %eq3A_145, %jit3A_146, %jit3A_144 : i32
      %rem3A_148 = arith.remsi %add3A_117, %select_n3A_147 : i32
      %ne3A_149 = arith.constant 0 : i32
      %ne3A_150 = arith.cmpi ne, %rem3A_148, %ne3A_149 : i32
      %lt3A = arith.constant 0 : i32
      %lt3A_151 = arith.cmpi slt, %rem3A_148, %lt3A : i32
      %lt3A_152 = arith.constant 0 : i32
      %lt3A_153 = arith.cmpi slt, %select_n3A_147, %lt3A_152 : i32
      %ne3A_154 = arith.xori %lt3A_151, %lt3A_153 : i1
      %and3A_155 = arith.andi %ne3A_154, %ne3A_150 : i1
      %add3A_156 = arith.addi %rem3A_148, %select_n3A_147 : i32
      %select_n3A_157 = arith.select %and3A_155, %add3A_156, %rem3A_148 : i32
      %mul3A_158 = arith.constant 24 : i32
      %mul3A_159 = arith.muli %add3A, %mul3A_158 : i32
      %add3A_160 = arith.addi %mul3A_159, %select_n3A_143 : i32
      %mul3A_161 = arith.constant 384 : i32
      %mul3A_162 = arith.muli %add3A_160, %mul3A_161 : i32
      %mul3A_163 = arith.constant 64 : i32
      %mul3A_164 = arith.muli %select_n3A_157, %mul3A_163 : i32
      %add3A_165 = arith.constant 0 : i32
      %add3A_166 = arith.addi %mul3A_164, %add3A_165 : i32
      %get3A = arith.index_cast %add3A_166 : i32 to index
      %get3A_167 = tpu.vector_load %arg5[%get3A] {strides = array<i32>} : memref<192xi32, #tpu.memory_space<vmem>>, vector<16xi32>,
      %get3A_168 = vector.shape_cast %get3A_167 : vector<16xi32> to vector<16xi32>
      %add3A_169 = vector.broadcast %mul3A_162 : i32 to vector<16xi32>
      %add3A_170 = arith.addi %get3A_168, %add3A_169 : vector<16xi32>
      %swap3A = arith.constant 0 : i32
      %swap3A_171 = arith.index_cast %swap3A : i32 to index
      %swap3A_172 = arith.constant 0 : index
      %swap3A_173 = tpu.vector_load %arg6[%swap3A_171, %swap3A_172] {strides = array<i32>} : memref<4x64xi32, #tpu.memory_space<vmem>>, vector<1x16xi32>,
      %swap3A_174 = vector.shape_cast %swap3A_173 : vector<1x16xi32> to vector<16xi32>
      %swap3A_175 = vector.shape_cast %add3A_170 : vector<16xi32> to vector<1x16xi32>
      tpu.vector_store %arg6[%swap3A_171, %swap3A_172], %swap3A_175 {strides = array<i32>} : memref<4x64xi32, #tpu.memory_space<vmem>>, vector<1x16xi32>,
      %mul3A_176 = arith.constant 64 : i32
      %mul3A_177 = arith.muli %select_n3A_157, %mul3A_176 : i32
      %add3A_178 = arith.constant 16 : i32
      %add3A_179 = arith.addi %mul3A_177, %add3A_178 : i32
      %get3A_180 = arith.index_cast %add3A_179 : i32 to index
      %get3A_181 = tpu.vector_load %arg5[%get3A_180] {strides = array<i32>} : memref<192xi32, #tpu.memory_space<vmem>>, vector<16xi32>,
      %get3A_182 = vector.shape_cast %get3A_181 : vector<16xi32> to vector<16xi32>
      %add3A_183 = vector.broadcast %mul3A_162 : i32 to vector<16xi32>
      %add3A_184 = arith.addi %get3A_182, %add3A_183 : vector<16xi32>
      %swap3A_185 = arith.constant 0 : i32
      %swap3A_186 = arith.index_cast %swap3A_185 : i32 to index
      %swap3A_187 = arith.constant 16 : index
      %swap3A_188 = tpu.vector_load %arg6[%swap3A_186, %swap3A_187] {strides = array<i32>} : memref<4x64xi32, #tpu.memory_space<vmem>>, vector<1x16xi32>,
      %swap3A_189 = vector.shape_cast %swap3A_188 : vector<1x16xi32> to vector<16xi32>
      %swap3A_190 = vector.shape_cast %add3A_184 : vector<16xi32> to vector<1x16xi32>
      tpu.vector_store %arg6[%swap3A_186, %swap3A_187], %swap3A_190 {strides = array<i32>} : memref<4x64xi32, #tpu.memory_space<vmem>>, vector<1x16xi32>,
      %mul3A_191 = arith.constant 64 : i32
      %mul3A_192 = arith.muli %select_n3A_157, %mul3A_191 : i32
      %add3A_193 = arith.constant 32 : i32
      %add3A_194 = arith.addi %mul3A_192, %add3A_193 : i32
      %get3A_195 = arith.index_cast %add3A_194 : i32 to index
      %get3A_196 = tpu.vector_load %arg5[%get3A_195] {strides = array<i32>} : memref<192xi32, #tpu.memory_space<vmem>>, vector<16xi32>,
      %get3A_197 = vector.shape_cast %get3A_196 : vector<16xi32> to vector<16xi32>
      %add3A_198 = vector.broadcast %mul3A_162 : i32 to vector<16xi32>
      %add3A_199 = arith.addi %get3A_197, %add3A_198 : vector<16xi32>
      %swap3A_200 = arith.constant 0 : i32
      %swap3A_201 = arith.index_cast %swap3A_200 : i32 to index
      %swap3A_202 = arith.constant 32 : index
      %swap3A_203 = tpu.vector_load %arg6[%swap3A_201, %swap3A_202] {strides = array<i32>} : memref<4x64xi32, #tpu.memory_space<vmem>>, vector<1x16xi32>,
      %swap3A_204 = vector.shape_cast %swap3A_203 : vector<1x16xi32> to vector<16xi32>
      %swap3A_205 = vector.shape_cast %add3A_199 : vector<16xi32> to vector<1x16xi32>
      tpu.vector_store %arg6[%swap3A_201, %swap3A_202], %swap3A_205 {strides = array<i32>} : memref<4x64xi32, #tpu.memory_space<vmem>>, vector<1x16xi32>,
      %mul3A_206 = arith.constant 64 : i32
      %mul3A_207 = arith.muli %select_n3A_157, %mul3A_206 : i32
      %add3A_208 = arith.constant 48 : i32
      %add3A_209 = arith.addi %mul3A_207, %add3A_208 : i32
      %get3A_210 = arith.index_cast %add3A_209 : i32 to index
      %get3A_211 = tpu.vector_load %arg5[%get3A_210] {strides = array<i32>} : memref<192xi32, #tpu.memory_space<vmem>>, vector<16xi32>,
      %get3A_212 = vector.shape_cast %get3A_211 : vector<16xi32> to vector<16xi32>
      %add3A_213 = vector.broadcast %mul3A_162 : i32 to vector<16xi32>
      %add3A_214 = arith.addi %get3A_212, %add3A_213 : vector<16xi32>
      %swap3A_215 = arith.constant 0 : i32
      %swap3A_216 = arith.index_cast %swap3A_215 : i32 to index
      %swap3A_217 = arith.constant 48 : index
      %swap3A_218 = tpu.vector_load %arg6[%swap3A_216, %swap3A_217] {strides = array<i32>} : memref<4x64xi32, #tpu.memory_space<vmem>>, vector<1x16xi32>,
      %swap3A_219 = vector.shape_cast %swap3A_218 : vector<1x16xi32> to vector<16xi32>
      %swap3A_220 = vector.shape_cast %add3A_214 : vector<16xi32> to vector<1x16xi32>
      tpu.vector_store %arg6[%swap3A_216, %swap3A_217], %swap3A_220 {strides = array<i32>} : memref<4x64xi32, #tpu.memory_space<vmem>>, vector<1x16xi32>,
      %dma_start3A_221 = arith.constant 0 : i32
      %dma_start3A_222 = arith.constant 0 : i32
      %dma_start3A_223 = arith.constant 0 : i32
      %dma_start3A_224 = arith.constant 0 : i32
      %dma_start3A_225 = tpu.memref_slice %arg7[%dma_start3A_222, %dma_start3A_223, %dma_start3A_224] : memref<4x64x384xf32, #tpu.memory_space<vmem>> -> memref<1x64x384xf32, #tpu.memory_space<vmem>>
      %dma_start3A_226 = tpu.memref_squeeze %dma_start3A_225 : memref<1x64x384xf32, #tpu.memory_space<vmem>> -> memref<64x384xf32, #tpu.memory_space<vmem>>
      %dma_start3A_227 = arith.constant 0 : i32
      %dma_start3A_228 = tpu.memref_slice %arg6[%dma_start3A_221, %dma_start3A_227] : memref<4x64xi32, #tpu.memory_space<vmem>> -> memref<1x64xi32, #tpu.memory_space<vmem>>
      %dma_start3A_229 = tpu.memref_squeeze %dma_start3A_228 : memref<1x64xi32, #tpu.memory_space<vmem>> -> memref<64xi32, #tpu.memory_space<vmem>>
      %dma_start3A_230 = arith.constant 0 : i32
      %dma_start3A_231 = arith.constant 0 : i32
      %dma_start3A_232 = tpu.memref_slice %arg2[%dma_start3A_230, %dma_start3A_231] : memref<294912x384xf32, #tpu.memory_space<hbm>> -> memref<294912x384xf32, #tpu.memory_space<hbm>>
      tpu.enqueue_indirect_dma source(%dma_start3A_232 : memref<294912x384xf32, #tpu.memory_space<hbm>>) target(%dma_start3A_226 : memref<64x384xf32, #tpu.memory_space<vmem>>) offsets(%dma_start3A_229 : memref<64xi32, #tpu.memory_space<vmem>>) semaphore(%arg8 : memref<!tpu.dma_semaphore, #tpu.memory_space<semaphore_mem>>)
      %gt3A_233 = arith.constant 0 : i32
      %gt3A_234 = arith.cmpi sgt, %scan3A_113, %gt3A_233 : i32
      %convert_element_type3A_235 = arith.extui %gt3A_234 : i1 to i32
      %cond3A_236 = arith.constant 0 : i32
      %cond3A_237 = arith.cmpi ne, %convert_element_type3A_235, %cond3A_236 : i32
      scf.if %cond3A_237 {
        %dma_wait3A_841 = arith.constant 3 : i32
        %dma_wait3A_842 = arith.constant 3 : i32
        %dma_wait3A_843 = arith.constant 0 : i32
        %dma_wait3A_844 = arith.constant 0 : i32
        %dma_wait3A_845 = tpu.memref_slice %arg7[%dma_wait3A_842, %dma_wait3A_843, %dma_wait3A_844] : memref<4x64x384xf32, #tpu.memory_space<vmem>> -> memref<1x64x384xf32, #tpu.memory_space<vmem>>
        %dma_wait3A_846 = tpu.memref_squeeze %dma_wait3A_845 : memref<1x64x384xf32, #tpu.memory_space<vmem>> -> memref<64x384xf32, #tpu.memory_space<vmem>>
        %dma_wait3A_847 = arith.constant 0 : i32
        %dma_wait3A_848 = tpu.memref_slice %arg6[%dma_wait3A_841, %dma_wait3A_847] : memref<4x64xi32, #tpu.memory_space<vmem>> -> memref<1x64xi32, #tpu.memory_space<vmem>>
        %dma_wait3A_849 = tpu.memref_squeeze %dma_wait3A_848 : memref<1x64xi32, #tpu.memory_space<vmem>> -> memref<64xi32, #tpu.memory_space<vmem>>
        %dma_wait3A_850 = arith.constant 0 : i32
        %dma_wait3A_851 = arith.constant 0 : i32
        %dma_wait3A_852 = tpu.memref_slice %arg2[%dma_wait3A_850, %dma_wait3A_851] : memref<294912x384xf32, #tpu.memory_space<hbm>> -> memref<294912x384xf32, #tpu.memory_space<hbm>>
        tpu.wait_indirect_dma semaphore(%arg11 : memref<!tpu.dma_semaphore, #tpu.memory_space<semaphore_mem>>) src(%dma_wait3A_852 : memref<294912x384xf32, #tpu.memory_space<hbm>>) dst(%dma_wait3A_846 : memref<64x384xf32, #tpu.memory_space<vmem>>)
        %sub3A_853 = arith.constant 1 : i32
        %sub3A_854 = arith.subi %add3A_117, %sub3A_853 : i32
        %jit3A_855 = arith.constant 3 : i32
        %div3A_856 = arith.divsi %sub3A_854, %jit3A_855 : i32
        %sign3A_857 = arith.constant 0 : i32
        %sign3A_858 = arith.cmpi sgt, %sub3A_854, %sign3A_857 : i32
        %sign3A_859 = arith.extui %sign3A_858 : i1 to i32
        %sign3A_860 = arith.constant 0 : i32
        %sign3A_861 = arith.cmpi slt, %sub3A_854, %sign3A_860 : i32
        %sign3A_862 = arith.extui %sign3A_861 : i1 to i32
        %sign3A_863 = arith.subi %sign3A_859, %sign3A_862 : i32
        %sign3A_864 = arith.constant 0 : i32
        %sign3A_865 = arith.cmpi sgt, %jit3A_855, %sign3A_864 : i32
        %sign3A_866 = arith.extui %sign3A_865 : i1 to i32
        %sign3A_867 = arith.constant 0 : i32
        %sign3A_868 = arith.cmpi slt, %jit3A_855, %sign3A_867 : i32
        %sign3A_869 = arith.extui %sign3A_868 : i1 to i32
        %sign3A_870 = arith.subi %sign3A_866, %sign3A_869 : i32
        %ne3A_871 = arith.cmpi ne, %sign3A_863, %sign3A_870 : i32
        %rem3A_872 = arith.remsi %sub3A_854, %jit3A_855 : i32
        %ne3A_873 = arith.constant 0 : i32
        %ne3A_874 = arith.cmpi ne, %rem3A_872, %ne3A_873 : i32
        %and3A_875 = arith.andi %ne3A_871, %ne3A_874 : i1
        %sub3A_876 = arith.constant 1 : i32
        %sub3A_877 = arith.subi %div3A_856, %sub3A_876 : i32
        %select_n3A_878 = arith.select %and3A_875, %sub3A_877, %div3A_856 : i32
        %jit3A_879 = arith.constant 3 : i32
        %eq3A_880 = arith.constant 0 : i32
        %eq3A_881 = arith.cmpi eq, %jit3A_879, %eq3A_880 : i32
        %jit3A_882 = arith.constant 1 : i32
        %select_n3A_883 = arith.select %eq3A_881, %jit3A_882, %jit3A_879 : i32
        %rem3A_884 = arith.remsi %sub3A_854, %select_n3A_883 : i32
        %ne3A_885 = arith.constant 0 : i32
        %ne3A_886 = arith.cmpi ne, %rem3A_884, %ne3A_885 : i32
        %lt3A_887 = arith.constant 0 : i32
        %lt3A_888 = arith.cmpi slt, %rem3A_884, %lt3A_887 : i32
        %lt3A_889 = arith.constant 0 : i32
        %lt3A_890 = arith.cmpi slt, %select_n3A_883, %lt3A_889 : i32
        %ne3A_891 = arith.xori %lt3A_888, %lt3A_890 : i1
        %and3A_892 = arith.andi %ne3A_891, %ne3A_886 : i1
        %add3A_893 = arith.addi %rem3A_884, %select_n3A_883 : i32
        %select_n3A_894 = arith.select %and3A_892, %add3A_893, %rem3A_884 : i32
        %mul3A_895 = arith.constant 24 : i32
        %mul3A_896 = arith.muli %add3A, %mul3A_895 : i32
        %add3A_897 = arith.addi %mul3A_896, %select_n3A_878 : i32
        %mul3A_898 = arith.constant 192 : i32
        %mul3A_899 = arith.muli %add3A_897, %mul3A_898 : i32
        %mul3A_900 = arith.constant 64 : i32
        %mul3A_901 = arith.muli %select_n3A_894, %mul3A_900 : i32
        %add3A_902 = arith.addi %mul3A_899, %mul3A_901 : i32
        %dma_start3A_903 = arith.constant 3 : i32
        %dma_start3A_904 = arith.constant 0 : i32
        %dma_start3A_905 = arith.constant 0 : i32
        %dma_start3A_906 = tpu.memref_slice %arg7[%dma_start3A_903, %dma_start3A_904, %dma_start3A_905] : memref<4x64x384xf32, #tpu.memory_space<vmem>> -> memref<1x64x384xf32, #tpu.memory_space<vmem>>
        %dma_start3A_907 = tpu.memref_squeeze %dma_start3A_906 : memref<1x64x384xf32, #tpu.memory_space<vmem>> -> memref<64x384xf32, #tpu.memory_space<vmem>>
        %dma_start3A_908 = arith.constant 0 : i32
        %dma_start3A_909 = tpu.memref_slice %arg4[%add3A_902, %dma_start3A_908] : memref<147456x384xf32, #tpu.memory_space<hbm>> -> memref<64x384xf32, #tpu.memory_space<hbm>>
        %dma_start3A_910 = arith.constant 0 : i32
        %dma_start3A_911 = tpu.memref_slice %arg4[%add3A_902, %dma_start3A_910] : memref<147456x384xf32, #tpu.memory_space<hbm>> -> memref<64x384xf32, #tpu.memory_space<hbm>>
        %dma_start3A_912 = arith.constant 0 : i32
        %dma_start3A_913 = arith.constant 0 : i32
        %dma_start3A_914 = tpu.memref_slice %arg7[%dma_start3A_903, %dma_start3A_912, %dma_start3A_913] : memref<4x64x384xf32, #tpu.memory_space<vmem>> -> memref<1x64x384xf32, #tpu.memory_space<vmem>>
        %dma_start3A_915 = tpu.memref_squeeze %dma_start3A_914 : memref<1x64x384xf32, #tpu.memory_space<vmem>> -> memref<64x384xf32, #tpu.memory_space<vmem>>
        tpu.enqueue_dma source(%dma_start3A_915 : memref<64x384xf32, #tpu.memory_space<vmem>>) target(%dma_start3A_911 : memref<64x384xf32, #tpu.memory_space<hbm>>) target_semaphore(%arg15 : memref<!tpu.dma_semaphore, #tpu.memory_space<semaphore_mem>>)
      } else {
      }
      %mul3A_238 = arith.constant 4 : i32
      %mul3A_239 = arith.muli %scan3A_113, %mul3A_238 : i32
      %add3A_240 = arith.constant 1 : i32
      %add3A_241 = arith.addi %mul3A_239, %add3A_240 : i32
      %gt3A_242 = arith.constant 0 : i32
      %gt3A_243 = arith.cmpi sgt, %scan3A_113, %gt3A_242 : i32
      %convert_element_type3A_244 = arith.extui %gt3A_243 : i1 to i32
      %cond3A_245 = arith.constant 0 : i32
      %cond3A_246 = arith.cmpi ne, %convert_element_type3A_244, %cond3A_245 : i32
      scf.if %cond3A_246 {
        %dma_wait3A_841 = arith.constant 1 : i32
        %dma_wait3A_842 = arith.constant 0 : i32
        %dma_wait3A_843 = arith.constant 0 : i32
        %dma_wait3A_844 = tpu.memref_slice %arg7[%dma_wait3A_841, %dma_wait3A_842, %dma_wait3A_843] : memref<4x64x384xf32, #tpu.memory_space<vmem>> -> memref<1x64x384xf32, #tpu.memory_space<vmem>>
        %dma_wait3A_845 = tpu.memref_squeeze %dma_wait3A_844 : memref<1x64x384xf32, #tpu.memory_space<vmem>> -> memref<64x384xf32, #tpu.memory_space<vmem>>
        %dma_wait3A_846 = arith.constant 0 : i32
        %dma_wait3A_847 = arith.constant 0 : i32
        %dma_wait3A_848 = tpu.memref_slice %arg4[%dma_wait3A_846, %dma_wait3A_847] : memref<147456x384xf32, #tpu.memory_space<hbm>> -> memref<64x384xf32, #tpu.memory_space<hbm>>
        %dma_wait3A_849 = arith.constant 0 : i32
        %dma_wait3A_850 = arith.constant 0 : i32
        %dma_wait3A_851 = tpu.memref_slice %arg4[%dma_wait3A_849, %dma_wait3A_850] : memref<147456x384xf32, #tpu.memory_space<hbm>> -> memref<64x384xf32, #tpu.memory_space<hbm>>
        %dma_wait3A_852 = arith.constant 0 : i32
        %dma_wait3A_853 = arith.constant 0 : i32
        %dma_wait3A_854 = tpu.memref_slice %arg7[%dma_wait3A_841, %dma_wait3A_852, %dma_wait3A_853] : memref<4x64x384xf32, #tpu.memory_space<vmem>> -> memref<1x64x384xf32, #tpu.memory_space<vmem>>
        %dma_wait3A_855 = tpu.memref_squeeze %dma_wait3A_854 : memref<1x64x384xf32, #tpu.memory_space<vmem>> -> memref<64x384xf32, #tpu.memory_space<vmem>>
        tpu.wait_dma2 semaphore(%arg13 : memref<!tpu.dma_semaphore, #tpu.memory_space<semaphore_mem>>) src(%dma_wait3A_855 : memref<64x384xf32, #tpu.memory_space<vmem>>) dst(%dma_wait3A_851 : memref<64x384xf32, #tpu.memory_space<hbm>>)
      } else {
      }
      %jit3A_247 = arith.constant 3 : i32
      %div3A_248 = arith.divsi %add3A_241, %jit3A_247 : i32
      %sign3A_249 = arith.constant 0 : i32
      %sign3A_250 = arith.cmpi sgt, %add3A_241, %sign3A_249 : i32
      %sign3A_251 = arith.extui %sign3A_250 : i1 to i32
      %sign3A_252 = arith.constant 0 : i32
      %sign3A_253 = arith.cmpi slt, %add3A_241, %sign3A_252 : i32
      %sign3A_254 = arith.extui %sign3A_253 : i1 to i32
      %sign3A_255 = arith.subi %sign3A_251, %sign3A_254 : i32
      %sign3A_256 = arith.constant 0 : i32
      %sign3A_257 = arith.cmpi sgt, %jit3A_247, %sign3A_256 : i32
      %sign3A_258 = arith.extui %sign3A_257 : i1 to i32
      %sign3A_259 = arith.constant 0 : i32
      %sign3A_260 = arith.cmpi slt, %jit3A_247, %sign3A_259 : i32
      %sign3A_261 = arith.extui %sign3A_260 : i1 to i32
      %sign3A_262 = arith.subi %sign3A_258, %sign3A_261 : i32
      %ne3A_263 = arith.cmpi ne, %sign3A_255, %sign3A_262 : i32
      %rem3A_264 = arith.remsi %add3A_241, %jit3A_247 : i32
      %ne3A_265 = arith.constant 0 : i32
      %ne3A_266 = arith.cmpi ne, %rem3A_264, %ne3A_265 : i32
      %and3A_267 = arith.andi %ne3A_263, %ne3A_266 : i1
      %sub3A_268 = arith.constant 1 : i32
      %sub3A_269 = arith.subi %div3A_248, %sub3A_268 : i32
      %select_n3A_270 = arith.select %and3A_267, %sub3A_269, %div3A_248 : i32
      %jit3A_271 = arith.constant 3 : i32
      %eq3A_272 = arith.constant 0 : i32
      %eq3A_273 = arith.cmpi eq, %jit3A_271, %eq3A_272 : i32
      %jit3A_274 = arith.constant 1 : i32
      %select_n3A_275 = arith.select %eq3A_273, %jit3A_274, %jit3A_271 : i32
      %rem3A_276 = arith.remsi %add3A_241, %select_n3A_275 : i32
      %ne3A_277 = arith.constant 0 : i32
      %ne3A_278 = arith.cmpi ne, %rem3A_276, %ne3A_277 : i32
      %lt3A_279 = arith.constant 0 : i32
      %lt3A_280 = arith.cmpi slt, %rem3A_276, %lt3A_279 : i32
      %lt3A_281 = arith.constant 0 : i32
      %lt3A_282 = arith.cmpi slt, %select_n3A_275, %lt3A_281 : i32
      %ne3A_283 = arith.xori %lt3A_280, %lt3A_282 : i1
      %and3A_284 = arith.andi %ne3A_283, %ne3A_278 : i1
      %add3A_285 = arith.addi %rem3A_276, %select_n3A_275 : i32
      %select_n3A_286 = arith.select %and3A_284, %add3A_285, %rem3A_276 : i32
      %mul3A_287 = arith.constant 24 : i32
      %mul3A_288 = arith.muli %add3A, %mul3A_287 : i32
      %add3A_289 = arith.addi %mul3A_288, %select_n3A_270 : i32
      %mul3A_290 = arith.constant 384 : i32
      %mul3A_291 = arith.muli %add3A_289, %mul3A_290 : i32
      %mul3A_292 = arith.constant 64 : i32
      %mul3A_293 = arith.muli %select_n3A_286, %mul3A_292 : i32
      %add3A_294 = arith.constant 0 : i32
      %add3A_295 = arith.addi %mul3A_293, %add3A_294 : i32
      %get3A_296 = arith.index_cast %add3A_295 : i32 to index
      %get3A_297 = tpu.vector_load %arg5[%get3A_296] {strides = array<i32>} : memref<192xi32, #tpu.memory_space<vmem>>, vector<16xi32>,
      %get3A_298 = vector.shape_cast %get3A_297 : vector<16xi32> to vector<16xi32>
      %add3A_299 = vector.broadcast %mul3A_291 : i32 to vector<16xi32>
      %add3A_300 = arith.addi %get3A_298, %add3A_299 : vector<16xi32>
      %swap3A_301 = arith.constant 1 : i32
      %swap3A_302 = arith.index_cast %swap3A_301 : i32 to index
      %swap3A_303 = arith.constant 0 : index
      %swap3A_304 = tpu.vector_load %arg6[%swap3A_302, %swap3A_303] {strides = array<i32>} : memref<4x64xi32, #tpu.memory_space<vmem>>, vector<1x16xi32>,
      %swap3A_305 = vector.shape_cast %swap3A_304 : vector<1x16xi32> to vector<16xi32>
      %swap3A_306 = vector.shape_cast %add3A_300 : vector<16xi32> to vector<1x16xi32>
      tpu.vector_store %arg6[%swap3A_302, %swap3A_303], %swap3A_306 {strides = array<i32>} : memref<4x64xi32, #tpu.memory_space<vmem>>, vector<1x16xi32>,
      %mul3A_307 = arith.constant 64 : i32
      %mul3A_308 = arith.muli %select_n3A_286, %mul3A_307 : i32
      %add3A_309 = arith.constant 16 : i32
      %add3A_310 = arith.addi %mul3A_308, %add3A_309 : i32
      %get3A_311 = arith.index_cast %add3A_310 : i32 to index
      %get3A_312 = tpu.vector_load %arg5[%get3A_311] {strides = array<i32>} : memref<192xi32, #tpu.memory_space<vmem>>, vector<16xi32>,
      %get3A_313 = vector.shape_cast %get3A_312 : vector<16xi32> to vector<16xi32>
      %add3A_314 = vector.broadcast %mul3A_291 : i32 to vector<16xi32>
      %add3A_315 = arith.addi %get3A_313, %add3A_314 : vector<16xi32>
      %swap3A_316 = arith.constant 1 : i32
      %swap3A_317 = arith.index_cast %swap3A_316 : i32 to index
      %swap3A_318 = arith.constant 16 : index
      %swap3A_319 = tpu.vector_load %arg6[%swap3A_317, %swap3A_318] {strides = array<i32>} : memref<4x64xi32, #tpu.memory_space<vmem>>, vector<1x16xi32>,
      %swap3A_320 = vector.shape_cast %swap3A_319 : vector<1x16xi32> to vector<16xi32>
      %swap3A_321 = vector.shape_cast %add3A_315 : vector<16xi32> to vector<1x16xi32>
      tpu.vector_store %arg6[%swap3A_317, %swap3A_318], %swap3A_321 {strides = array<i32>} : memref<4x64xi32, #tpu.memory_space<vmem>>, vector<1x16xi32>,
      %mul3A_322 = arith.constant 64 : i32
      %mul3A_323 = arith.muli %select_n3A_286, %mul3A_322 : i32
      %add3A_324 = arith.constant 32 : i32
      %add3A_325 = arith.addi %mul3A_323, %add3A_324 : i32
      %get3A_326 = arith.index_cast %add3A_325 : i32 to index
      %get3A_327 = tpu.vector_load %arg5[%get3A_326] {strides = array<i32>} : memref<192xi32, #tpu.memory_space<vmem>>, vector<16xi32>,
      %get3A_328 = vector.shape_cast %get3A_327 : vector<16xi32> to vector<16xi32>
      %add3A_329 = vector.broadcast %mul3A_291 : i32 to vector<16xi32>
      %add3A_330 = arith.addi %get3A_328, %add3A_329 : vector<16xi32>
      %swap3A_331 = arith.constant 1 : i32
      %swap3A_332 = arith.index_cast %swap3A_331 : i32 to index
      %swap3A_333 = arith.constant 32 : index
      %swap3A_334 = tpu.vector_load %arg6[%swap3A_332, %swap3A_333] {strides = array<i32>} : memref<4x64xi32, #tpu.memory_space<vmem>>, vector<1x16xi32>,
      %swap3A_335 = vector.shape_cast %swap3A_334 : vector<1x16xi32> to vector<16xi32>
      %swap3A_336 = vector.shape_cast %add3A_330 : vector<16xi32> to vector<1x16xi32>
      tpu.vector_store %arg6[%swap3A_332, %swap3A_333], %swap3A_336 {strides = array<i32>} : memref<4x64xi32, #tpu.memory_space<vmem>>, vector<1x16xi32>,
      %mul3A_337 = arith.constant 64 : i32
      %mul3A_338 = arith.muli %select_n3A_286, %mul3A_337 : i32
      %add3A_339 = arith.constant 48 : i32
      %add3A_340 = arith.addi %mul3A_338, %add3A_339 : i32
      %get3A_341 = arith.index_cast %add3A_340 : i32 to index
      %get3A_342 = tpu.vector_load %arg5[%get3A_341] {strides = array<i32>} : memref<192xi32, #tpu.memory_space<vmem>>, vector<16xi32>,
      %get3A_343 = vector.shape_cast %get3A_342 : vector<16xi32> to vector<16xi32>
      %add3A_344 = vector.broadcast %mul3A_291 : i32 to vector<16xi32>
      %add3A_345 = arith.addi %get3A_343, %add3A_344 : vector<16xi32>
      %swap3A_346 = arith.constant 1 : i32
      %swap3A_347 = arith.index_cast %swap3A_346 : i32 to index
      %swap3A_348 = arith.constant 48 : index
      %swap3A_349 = tpu.vector_load %arg6[%swap3A_347, %swap3A_348] {strides = array<i32>} : memref<4x64xi32, #tpu.memory_space<vmem>>, vector<1x16xi32>,
      %swap3A_350 = vector.shape_cast %swap3A_349 : vector<1x16xi32> to vector<16xi32>
      %swap3A_351 = vector.shape_cast %add3A_345 : vector<16xi32> to vector<1x16xi32>
      tpu.vector_store %arg6[%swap3A_347, %swap3A_348], %swap3A_351 {strides = array<i32>} : memref<4x64xi32, #tpu.memory_space<vmem>>, vector<1x16xi32>,
      %dma_start3A_352 = arith.constant 1 : i32
      %dma_start3A_353 = arith.constant 1 : i32
      %dma_start3A_354 = arith.constant 0 : i32
      %dma_start3A_355 = arith.constant 0 : i32
      %dma_start3A_356 = tpu.memref_slice %arg7[%dma_start3A_353, %dma_start3A_354, %dma_start3A_355] : memref<4x64x384xf32, #tpu.memory_space<vmem>> -> memref<1x64x384xf32, #tpu.memory_space<vmem>>
      %dma_start3A_357 = tpu.memref_squeeze %dma_start3A_356 : memref<1x64x384xf32, #tpu.memory_space<vmem>> -> memref<64x384xf32, #tpu.memory_space<vmem>>
      %dma_start3A_358 = arith.constant 0 : i32
      %dma_start3A_359 = tpu.memref_slice %arg6[%dma_start3A_352, %dma_start3A_358] : memref<4x64xi32, #tpu.memory_space<vmem>> -> memref<1x64xi32, #tpu.memory_space<vmem>>
      %dma_start3A_360 = tpu.memref_squeeze %dma_start3A_359 : memref<1x64xi32, #tpu.memory_space<vmem>> -> memref<64xi32, #tpu.memory_space<vmem>>
      %dma_start3A_361 = arith.constant 0 : i32
      %dma_start3A_362 = arith.constant 0 : i32
      %dma_start3A_363 = tpu.memref_slice %arg2[%dma_start3A_361, %dma_start3A_362] : memref<294912x384xf32, #tpu.memory_space<hbm>> -> memref<294912x384xf32, #tpu.memory_space<hbm>>
      tpu.enqueue_indirect_dma source(%dma_start3A_363 : memref<294912x384xf32, #tpu.memory_space<hbm>>) target(%dma_start3A_357 : memref<64x384xf32, #tpu.memory_space<vmem>>) offsets(%dma_start3A_360 : memref<64xi32, #tpu.memory_space<vmem>>) semaphore(%arg9 : memref<!tpu.dma_semaphore, #tpu.memory_space<semaphore_mem>>)
      %dma_wait3A_364 = arith.constant 0 : i32
      %dma_wait3A_365 = arith.constant 0 : i32
      %dma_wait3A_366 = arith.constant 0 : i32
      %dma_wait3A_367 = arith.constant 0 : i32
      %dma_wait3A_368 = tpu.memref_slice %arg7[%dma_wait3A_365, %dma_wait3A_366, %dma_wait3A_367] : memref<4x64x384xf32, #tpu.memory_space<vmem>> -> memref<1x64x384xf32, #tpu.memory_space<vmem>>
      %dma_wait3A_369 = tpu.memref_squeeze %dma_wait3A_368 : memref<1x64x384xf32, #tpu.memory_space<vmem>> -> memref<64x384xf32, #tpu.memory_space<vmem>>
      %dma_wait3A_370 = arith.constant 0 : i32
      %dma_wait3A_371 = tpu.memref_slice %arg6[%dma_wait3A_364, %dma_wait3A_370] : memref<4x64xi32, #tpu.memory_space<vmem>> -> memref<1x64xi32, #tpu.memory_space<vmem>>
      %dma_wait3A_372 = tpu.memref_squeeze %dma_wait3A_371 : memref<1x64xi32, #tpu.memory_space<vmem>> -> memref<64xi32, #tpu.memory_space<vmem>>
      %dma_wait3A_373 = arith.constant 0 : i32
      %dma_wait3A_374 = arith.constant 0 : i32
      %dma_wait3A_375 = tpu.memref_slice %arg2[%dma_wait3A_373, %dma_wait3A_374] : memref<294912x384xf32, #tpu.memory_space<hbm>> -> memref<294912x384xf32, #tpu.memory_space<hbm>>
      tpu.wait_indirect_dma semaphore(%arg8 : memref<!tpu.dma_semaphore, #tpu.memory_space<semaphore_mem>>) src(%dma_wait3A_375 : memref<294912x384xf32, #tpu.memory_space<hbm>>) dst(%dma_wait3A_369 : memref<64x384xf32, #tpu.memory_space<vmem>>)
      %sub3A_376 = arith.constant 1 : i32
      %sub3A_377 = arith.subi %add3A_241, %sub3A_376 : i32
      %jit3A_378 = arith.constant 3 : i32
      %div3A_379 = arith.divsi %sub3A_377, %jit3A_378 : i32
      %sign3A_380 = arith.constant 0 : i32
      %sign3A_381 = arith.cmpi sgt, %sub3A_377, %sign3A_380 : i32
      %sign3A_382 = arith.extui %sign3A_381 : i1 to i32
      %sign3A_383 = arith.constant 0 : i32
      %sign3A_384 = arith.cmpi slt, %sub3A_377, %sign3A_383 : i32
      %sign3A_385 = arith.extui %sign3A_384 : i1 to i32
      %sign3A_386 = arith.subi %sign3A_382, %sign3A_385 : i32
      %sign3A_387 = arith.constant 0 : i32
      %sign3A_388 = arith.cmpi sgt, %jit3A_378, %sign3A_387 : i32
      %sign3A_389 = arith.extui %sign3A_388 : i1 to i32
      %sign3A_390 = arith.constant 0 : i32
      %sign3A_391 = arith.cmpi slt, %jit3A_378, %sign3A_390 : i32
      %sign3A_392 = arith.extui %sign3A_391 : i1 to i32
      %sign3A_393 = arith.subi %sign3A_389, %sign3A_392 : i32
      %ne3A_394 = arith.cmpi ne, %sign3A_386, %sign3A_393 : i32
      %rem3A_395 = arith.remsi %sub3A_377, %jit3A_378 : i32
      %ne3A_396 = arith.constant 0 : i32
      %ne3A_397 = arith.cmpi ne, %rem3A_395, %ne3A_396 : i32
      %and3A_398 = arith.andi %ne3A_394, %ne3A_397 : i1
      %sub3A_399 = arith.constant 1 : i32
      %sub3A_400 = arith.subi %div3A_379, %sub3A_399 : i32
      %select_n3A_401 = arith.select %and3A_398, %sub3A_400, %div3A_379 : i32
      %jit3A_402 = arith.constant 3 : i32
      %eq3A_403 = arith.constant 0 : i32
      %eq3A_404 = arith.cmpi eq, %jit3A_402, %eq3A_403 : i32
      %jit3A_405 = arith.constant 1 : i32
      %select_n3A_406 = arith.select %eq3A_404, %jit3A_405, %jit3A_402 : i32
      %rem3A_407 = arith.remsi %sub3A_377, %select_n3A_406 : i32
      %ne3A_408 = arith.constant 0 : i32
      %ne3A_409 = arith.cmpi ne, %rem3A_407, %ne3A_408 : i32
      %lt3A_410 = arith.constant 0 : i32
      %lt3A_411 = arith.cmpi slt, %rem3A_407, %lt3A_410 : i32
      %lt3A_412 = arith.constant 0 : i32
      %lt3A_413 = arith.cmpi slt, %select_n3A_406, %lt3A_412 : i32
      %ne3A_414 = arith.xori %lt3A_411, %lt3A_413 : i1
      %and3A_415 = arith.andi %ne3A_414, %ne3A_409 : i1
      %add3A_416 = arith.addi %rem3A_407, %select_n3A_406 : i32
      %select_n3A_417 = arith.select %and3A_415, %add3A_416, %rem3A_407 : i32
      %mul3A_418 = arith.constant 24 : i32
      %mul3A_419 = arith.muli %add3A, %mul3A_418 : i32
      %add3A_420 = arith.addi %mul3A_419, %select_n3A_401 : i32
      %mul3A_421 = arith.constant 192 : i32
      %mul3A_422 = arith.muli %add3A_420, %mul3A_421 : i32
      %mul3A_423 = arith.constant 64 : i32
      %mul3A_424 = arith.muli %select_n3A_417, %mul3A_423 : i32
      %add3A_425 = arith.addi %mul3A_422, %mul3A_424 : i32
      %dma_start3A_426 = arith.constant 0 : i32
      %dma_start3A_427 = arith.constant 0 : i32
      %dma_start3A_428 = arith.constant 0 : i32
      %dma_start3A_429 = tpu.memref_slice %arg7[%dma_start3A_426, %dma_start3A_427, %dma_start3A_428] : memref<4x64x384xf32, #tpu.memory_space<vmem>> -> memref<1x64x384xf32, #tpu.memory_space<vmem>>
      %dma_start3A_430 = tpu.memref_squeeze %dma_start3A_429 : memref<1x64x384xf32, #tpu.memory_space<vmem>> -> memref<64x384xf32, #tpu.memory_space<vmem>>
      %dma_start3A_431 = arith.constant 0 : i32
      %dma_start3A_432 = tpu.memref_slice %arg4[%add3A_425, %dma_start3A_431] : memref<147456x384xf32, #tpu.memory_space<hbm>> -> memref<64x384xf32, #tpu.memory_space<hbm>>
      %dma_start3A_433 = arith.constant 0 : i32
      %dma_start3A_434 = tpu.memref_slice %arg4[%add3A_425, %dma_start3A_433] : memref<147456x384xf32, #tpu.memory_space<hbm>> -> memref<64x384xf32, #tpu.memory_space<hbm>>
      %dma_start3A_435 = arith.constant 0 : i32
      %dma_start3A_436 = arith.constant 0 : i32
      %dma_start3A_437 = tpu.memref_slice %arg7[%dma_start3A_426, %dma_start3A_435, %dma_start3A_436] : memref<4x64x384xf32, #tpu.memory_space<vmem>> -> memref<1x64x384xf32, #tpu.memory_space<vmem>>
      %dma_start3A_438 = tpu.memref_squeeze %dma_start3A_437 : memref<1x64x384xf32, #tpu.memory_space<vmem>> -> memref<64x384xf32, #tpu.memory_space<vmem>>
      tpu.enqueue_dma source(%dma_start3A_438 : memref<64x384xf32, #tpu.memory_space<vmem>>) target(%dma_start3A_434 : memref<64x384xf32, #tpu.memory_space<hbm>>) target_semaphore(%arg12 : memref<!tpu.dma_semaphore, #tpu.memory_space<semaphore_mem>>)
      %mul3A_439 = arith.constant 4 : i32
      %mul3A_440 = arith.muli %scan3A_113, %mul3A_439 : i32
      %add3A_441 = arith.constant 2 : i32
      %add3A_442 = arith.addi %mul3A_440, %add3A_441 : i32
      %gt3A_443 = arith.constant 0 : i32
      %gt3A_444 = arith.cmpi sgt, %scan3A_113, %gt3A_443 : i32
      %convert_element_type3A_445 = arith.extui %gt3A_444 : i1 to i32
      %cond3A_446 = arith.constant 0 : i32
      %cond3A_447 = arith.cmpi ne, %convert_element_type3A_445, %cond3A_446 : i32
      scf.if %cond3A_447 {
        %dma_wait3A_841 = arith.constant 2 : i32
        %dma_wait3A_842 = arith.constant 0 : i32
        %dma_wait3A_843 = arith.constant 0 : i32
        %dma_wait3A_844 = tpu.memref_slice %arg7[%dma_wait3A_841, %dma_wait3A_842, %dma_wait3A_843] : memref<4x64x384xf32, #tpu.memory_space<vmem>> -> memref<1x64x384xf32, #tpu.memory_space<vmem>>
        %dma_wait3A_845 = tpu.memref_squeeze %dma_wait3A_844 : memref<1x64x384xf32, #tpu.memory_space<vmem>> -> memref<64x384xf32, #tpu.memory_space<vmem>>
        %dma_wait3A_846 = arith.constant 0 : i32
        %dma_wait3A_847 = arith.constant 0 : i32
        %dma_wait3A_848 = tpu.memref_slice %arg4[%dma_wait3A_846, %dma_wait3A_847] : memref<147456x384xf32, #tpu.memory_space<hbm>> -> memref<64x384xf32, #tpu.memory_space<hbm>>
        %dma_wait3A_849 = arith.constant 0 : i32
        %dma_wait3A_850 = arith.constant 0 : i32
        %dma_wait3A_851 = tpu.memref_slice %arg4[%dma_wait3A_849, %dma_wait3A_850] : memref<147456x384xf32, #tpu.memory_space<hbm>> -> memref<64x384xf32, #tpu.memory_space<hbm>>
        %dma_wait3A_852 = arith.constant 0 : i32
        %dma_wait3A_853 = arith.constant 0 : i32
        %dma_wait3A_854 = tpu.memref_slice %arg7[%dma_wait3A_841, %dma_wait3A_852, %dma_wait3A_853] : memref<4x64x384xf32, #tpu.memory_space<vmem>> -> memref<1x64x384xf32, #tpu.memory_space<vmem>>
        %dma_wait3A_855 = tpu.memref_squeeze %dma_wait3A_854 : memref<1x64x384xf32, #tpu.memory_space<vmem>> -> memref<64x384xf32, #tpu.memory_space<vmem>>
        tpu.wait_dma2 semaphore(%arg14 : memref<!tpu.dma_semaphore, #tpu.memory_space<semaphore_mem>>) src(%dma_wait3A_855 : memref<64x384xf32, #tpu.memory_space<vmem>>) dst(%dma_wait3A_851 : memref<64x384xf32, #tpu.memory_space<hbm>>)
      } else {
      }
      %jit3A_448 = arith.constant 3 : i32
      %div3A_449 = arith.divsi %add3A_442, %jit3A_448 : i32
      %sign3A_450 = arith.constant 0 : i32
      %sign3A_451 = arith.cmpi sgt, %add3A_442, %sign3A_450 : i32
      %sign3A_452 = arith.extui %sign3A_451 : i1 to i32
      %sign3A_453 = arith.constant 0 : i32
      %sign3A_454 = arith.cmpi slt, %add3A_442, %sign3A_453 : i32
      %sign3A_455 = arith.extui %sign3A_454 : i1 to i32
      %sign3A_456 = arith.subi %sign3A_452, %sign3A_455 : i32
      %sign3A_457 = arith.constant 0 : i32
      %sign3A_458 = arith.cmpi sgt, %jit3A_448, %sign3A_457 : i32
      %sign3A_459 = arith.extui %sign3A_458 : i1 to i32
      %sign3A_460 = arith.constant 0 : i32
      %sign3A_461 = arith.cmpi slt, %jit3A_448, %sign3A_460 : i32
      %sign3A_462 = arith.extui %sign3A_461 : i1 to i32
      %sign3A_463 = arith.subi %sign3A_459, %sign3A_462 : i32
      %ne3A_464 = arith.cmpi ne, %sign3A_456, %sign3A_463 : i32
      %rem3A_465 = arith.remsi %add3A_442, %jit3A_448 : i32
      %ne3A_466 = arith.constant 0 : i32
      %ne3A_467 = arith.cmpi ne, %rem3A_465, %ne3A_466 : i32
      %and3A_468 = arith.andi %ne3A_464, %ne3A_467 : i1
      %sub3A_469 = arith.constant 1 : i32
      %sub3A_470 = arith.subi %div3A_449, %sub3A_469 : i32
      %select_n3A_471 = arith.select %and3A_468, %sub3A_470, %div3A_449 : i32
      %jit3A_472 = arith.constant 3 : i32
      %eq3A_473 = arith.constant 0 : i32
      %eq3A_474 = arith.cmpi eq, %jit3A_472, %eq3A_473 : i32
      %jit3A_475 = arith.constant 1 : i32
      %select_n3A_476 = arith.select %eq3A_474, %jit3A_475, %jit3A_472 : i32
      %rem3A_477 = arith.remsi %add3A_442, %select_n3A_476 : i32
      %ne3A_478 = arith.constant 0 : i32
      %ne3A_479 = arith.cmpi ne, %rem3A_477, %ne3A_478 : i32
      %lt3A_480 = arith.constant 0 : i32
      %lt3A_481 = arith.cmpi slt, %rem3A_477, %lt3A_480 : i32
      %lt3A_482 = arith.constant 0 : i32
      %lt3A_483 = arith.cmpi slt, %select_n3A_476, %lt3A_482 : i32
      %ne3A_484 = arith.xori %lt3A_481, %lt3A_483 : i1
      %and3A_485 = arith.andi %ne3A_484, %ne3A_479 : i1
      %add3A_486 = arith.addi %rem3A_477, %select_n3A_476 : i32
      %select_n3A_487 = arith.select %and3A_485, %add3A_486, %rem3A_477 : i32
      %mul3A_488 = arith.constant 24 : i32
      %mul3A_489 = arith.muli %add3A, %mul3A_488 : i32
      %add3A_490 = arith.addi %mul3A_489, %select_n3A_471 : i32
      %mul3A_491 = arith.constant 384 : i32
      %mul3A_492 = arith.muli %add3A_490, %mul3A_491 : i32
      %mul3A_493 = arith.constant 64 : i32
      %mul3A_494 = arith.muli %select_n3A_487, %mul3A_493 : i32
      %add3A_495 = arith.constant 0 : i32
      %add3A_496 = arith.addi %mul3A_494, %add3A_495 : i32
      %get3A_497 = arith.index_cast %add3A_496 : i32 to index
      %get3A_498 = tpu.vector_load %arg5[%get3A_497] {strides = array<i32>} : memref<192xi32, #tpu.memory_space<vmem>>, vector<16xi32>,
      %get3A_499 = vector.shape_cast %get3A_498 : vector<16xi32> to vector<16xi32>
      %add3A_500 = vector.broadcast %mul3A_492 : i32 to vector<16xi32>
      %add3A_501 = arith.addi %get3A_499, %add3A_500 : vector<16xi32>
      %swap3A_502 = arith.constant 2 : i32
      %swap3A_503 = arith.index_cast %swap3A_502 : i32 to index
      %swap3A_504 = arith.constant 0 : index
      %swap3A_505 = tpu.vector_load %arg6[%swap3A_503, %swap3A_504] {strides = array<i32>} : memref<4x64xi32, #tpu.memory_space<vmem>>, vector<1x16xi32>,
      %swap3A_506 = vector.shape_cast %swap3A_505 : vector<1x16xi32> to vector<16xi32>
      %swap3A_507 = vector.shape_cast %add3A_501 : vector<16xi32> to vector<1x16xi32>
      tpu.vector_store %arg6[%swap3A_503, %swap3A_504], %swap3A_507 {strides = array<i32>} : memref<4x64xi32, #tpu.memory_space<vmem>>, vector<1x16xi32>,
      %mul3A_508 = arith.constant 64 : i32
      %mul3A_509 = arith.muli %select_n3A_487, %mul3A_508 : i32
      %add3A_510 = arith.constant 16 : i32
      %add3A_511 = arith.addi %mul3A_509, %add3A_510 : i32
      %get3A_512 = arith.index_cast %add3A_511 : i32 to index
      %get3A_513 = tpu.vector_load %arg5[%get3A_512] {strides = array<i32>} : memref<192xi32, #tpu.memory_space<vmem>>, vector<16xi32>,
      %get3A_514 = vector.shape_cast %get3A_513 : vector<16xi32> to vector<16xi32>
      %add3A_515 = vector.broadcast %mul3A_492 : i32 to vector<16xi32>
      %add3A_516 = arith.addi %get3A_514, %add3A_515 : vector<16xi32>
      %swap3A_517 = arith.constant 2 : i32
      %swap3A_518 = arith.index_cast %swap3A_517 : i32 to index
      %swap3A_519 = arith.constant 16 : index
      %swap3A_520 = tpu.vector_load %arg6[%swap3A_518, %swap3A_519] {strides = array<i32>} : memref<4x64xi32, #tpu.memory_space<vmem>>, vector<1x16xi32>,
      %swap3A_521 = vector.shape_cast %swap3A_520 : vector<1x16xi32> to vector<16xi32>
      %swap3A_522 = vector.shape_cast %add3A_516 : vector<16xi32> to vector<1x16xi32>
      tpu.vector_store %arg6[%swap3A_518, %swap3A_519], %swap3A_522 {strides = array<i32>} : memref<4x64xi32, #tpu.memory_space<vmem>>, vector<1x16xi32>,
      %mul3A_523 = arith.constant 64 : i32
      %mul3A_524 = arith.muli %select_n3A_487, %mul3A_523 : i32
      %add3A_525 = arith.constant 32 : i32
      %add3A_526 = arith.addi %mul3A_524, %add3A_525 : i32
      %get3A_527 = arith.index_cast %add3A_526 : i32 to index
      %get3A_528 = tpu.vector_load %arg5[%get3A_527] {strides = array<i32>} : memref<192xi32, #tpu.memory_space<vmem>>, vector<16xi32>,
      %get3A_529 = vector.shape_cast %get3A_528 : vector<16xi32> to vector<16xi32>
      %add3A_530 = vector.broadcast %mul3A_492 : i32 to vector<16xi32>
      %add3A_531 = arith.addi %get3A_529, %add3A_530 : vector<16xi32>
      %swap3A_532 = arith.constant 2 : i32
      %swap3A_533 = arith.index_cast %swap3A_532 : i32 to index
      %swap3A_534 = arith.constant 32 : index
      %swap3A_535 = tpu.vector_load %arg6[%swap3A_533, %swap3A_534] {strides = array<i32>} : memref<4x64xi32, #tpu.memory_space<vmem>>, vector<1x16xi32>,
      %swap3A_536 = vector.shape_cast %swap3A_535 : vector<1x16xi32> to vector<16xi32>
      %swap3A_537 = vector.shape_cast %add3A_531 : vector<16xi32> to vector<1x16xi32>
      tpu.vector_store %arg6[%swap3A_533, %swap3A_534], %swap3A_537 {strides = array<i32>} : memref<4x64xi32, #tpu.memory_space<vmem>>, vector<1x16xi32>,
      %mul3A_538 = arith.constant 64 : i32
      %mul3A_539 = arith.muli %select_n3A_487, %mul3A_538 : i32
      %add3A_540 = arith.constant 48 : i32
      %add3A_541 = arith.addi %mul3A_539, %add3A_540 : i32
      %get3A_542 = arith.index_cast %add3A_541 : i32 to index
      %get3A_543 = tpu.vector_load %arg5[%get3A_542] {strides = array<i32>} : memref<192xi32, #tpu.memory_space<vmem>>, vector<16xi32>,
      %get3A_544 = vector.shape_cast %get3A_543 : vector<16xi32> to vector<16xi32>
      %add3A_545 = vector.broadcast %mul3A_492 : i32 to vector<16xi32>
      %add3A_546 = arith.addi %get3A_544, %add3A_545 : vector<16xi32>
      %swap3A_547 = arith.constant 2 : i32
      %swap3A_548 = arith.index_cast %swap3A_547 : i32 to index
      %swap3A_549 = arith.constant 48 : index
      %swap3A_550 = tpu.vector_load %arg6[%swap3A_548, %swap3A_549] {strides = array<i32>} : memref<4x64xi32, #tpu.memory_space<vmem>>, vector<1x16xi32>,
      %swap3A_551 = vector.shape_cast %swap3A_550 : vector<1x16xi32> to vector<16xi32>
      %swap3A_552 = vector.shape_cast %add3A_546 : vector<16xi32> to vector<1x16xi32>
      tpu.vector_store %arg6[%swap3A_548, %swap3A_549], %swap3A_552 {strides = array<i32>} : memref<4x64xi32, #tpu.memory_space<vmem>>, vector<1x16xi32>,
      %dma_start3A_553 = arith.constant 2 : i32
      %dma_start3A_554 = arith.constant 2 : i32
      %dma_start3A_555 = arith.constant 0 : i32
      %dma_start3A_556 = arith.constant 0 : i32
      %dma_start3A_557 = tpu.memref_slice %arg7[%dma_start3A_554, %dma_start3A_555, %dma_start3A_556] : memref<4x64x384xf32, #tpu.memory_space<vmem>> -> memref<1x64x384xf32, #tpu.memory_space<vmem>>
      %dma_start3A_558 = tpu.memref_squeeze %dma_start3A_557 : memref<1x64x384xf32, #tpu.memory_space<vmem>> -> memref<64x384xf32, #tpu.memory_space<vmem>>
      %dma_start3A_559 = arith.constant 0 : i32
      %dma_start3A_560 = tpu.memref_slice %arg6[%dma_start3A_553, %dma_start3A_559] : memref<4x64xi32, #tpu.memory_space<vmem>> -> memref<1x64xi32, #tpu.memory_space<vmem>>
      %dma_start3A_561 = tpu.memref_squeeze %dma_start3A_560 : memref<1x64xi32, #tpu.memory_space<vmem>> -> memref<64xi32, #tpu.memory_space<vmem>>
      %dma_start3A_562 = arith.constant 0 : i32
      %dma_start3A_563 = arith.constant 0 : i32
      %dma_start3A_564 = tpu.memref_slice %arg2[%dma_start3A_562, %dma_start3A_563] : memref<294912x384xf32, #tpu.memory_space<hbm>> -> memref<294912x384xf32, #tpu.memory_space<hbm>>
      tpu.enqueue_indirect_dma source(%dma_start3A_564 : memref<294912x384xf32, #tpu.memory_space<hbm>>) target(%dma_start3A_558 : memref<64x384xf32, #tpu.memory_space<vmem>>) offsets(%dma_start3A_561 : memref<64xi32, #tpu.memory_space<vmem>>) semaphore(%arg10 : memref<!tpu.dma_semaphore, #tpu.memory_space<semaphore_mem>>)
      %dma_wait3A_565 = arith.constant 1 : i32
      %dma_wait3A_566 = arith.constant 1 : i32
      %dma_wait3A_567 = arith.constant 0 : i32
      %dma_wait3A_568 = arith.constant 0 : i32
      %dma_wait3A_569 = tpu.memref_slice %arg7[%dma_wait3A_566, %dma_wait3A_567, %dma_wait3A_568] : memref<4x64x384xf32, #tpu.memory_space<vmem>> -> memref<1x64x384xf32, #tpu.memory_space<vmem>>
      %dma_wait3A_570 = tpu.memref_squeeze %dma_wait3A_569 : memref<1x64x384xf32, #tpu.memory_space<vmem>> -> memref<64x384xf32, #tpu.memory_space<vmem>>
      %dma_wait3A_571 = arith.constant 0 : i32
      %dma_wait3A_572 = tpu.memref_slice %arg6[%dma_wait3A_565, %dma_wait3A_571] : memref<4x64xi32, #tpu.memory_space<vmem>> -> memref<1x64xi32, #tpu.memory_space<vmem>>
      %dma_wait3A_573 = tpu.memref_squeeze %dma_wait3A_572 : memref<1x64xi32, #tpu.memory_space<vmem>> -> memref<64xi32, #tpu.memory_space<vmem>>
      %dma_wait3A_574 = arith.constant 0 : i32
      %dma_wait3A_575 = arith.constant 0 : i32
      %dma_wait3A_576 = tpu.memref_slice %arg2[%dma_wait3A_574, %dma_wait3A_575] : memref<294912x384xf32, #tpu.memory_space<hbm>> -> memref<294912x384xf32, #tpu.memory_space<hbm>>
      tpu.wait_indirect_dma semaphore(%arg9 : memref<!tpu.dma_semaphore, #tpu.memory_space<semaphore_mem>>) src(%dma_wait3A_576 : memref<294912x384xf32, #tpu.memory_space<hbm>>) dst(%dma_wait3A_570 : memref<64x384xf32, #tpu.memory_space<vmem>>)
      %sub3A_577 = arith.constant 1 : i32
      %sub3A_578 = arith.subi %add3A_442, %sub3A_577 : i32
      %jit3A_579 = arith.constant 3 : i32
      %div3A_580 = arith.divsi %sub3A_578, %jit3A_579 : i32
      %sign3A_581 = arith.constant 0 : i32
      %sign3A_582 = arith.cmpi sgt, %sub3A_578, %sign3A_581 : i32
      %sign3A_583 = arith.extui %sign3A_582 : i1 to i32
      %sign3A_584 = arith.constant 0 : i32
      %sign3A_585 = arith.cmpi slt, %sub3A_578, %sign3A_584 : i32
      %sign3A_586 = arith.extui %sign3A_585 : i1 to i32
      %sign3A_587 = arith.subi %sign3A_583, %sign3A_586 : i32
      %sign3A_588 = arith.constant 0 : i32
      %sign3A_589 = arith.cmpi sgt, %jit3A_579, %sign3A_588 : i32
      %sign3A_590 = arith.extui %sign3A_589 : i1 to i32
      %sign3A_591 = arith.constant 0 : i32
      %sign3A_592 = arith.cmpi slt, %jit3A_579, %sign3A_591 : i32
      %sign3A_593 = arith.extui %sign3A_592 : i1 to i32
      %sign3A_594 = arith.subi %sign3A_590, %sign3A_593 : i32
      %ne3A_595 = arith.cmpi ne, %sign3A_587, %sign3A_594 : i32
      %rem3A_596 = arith.remsi %sub3A_578, %jit3A_579 : i32
      %ne3A_597 = arith.constant 0 : i32
      %ne3A_598 = arith.cmpi ne, %rem3A_596, %ne3A_597 : i32
      %and3A_599 = arith.andi %ne3A_595, %ne3A_598 : i1
      %sub3A_600 = arith.constant 1 : i32
      %sub3A_601 = arith.subi %div3A_580, %sub3A_600 : i32
      %select_n3A_602 = arith.select %and3A_599, %sub3A_601, %div3A_580 : i32
      %jit3A_603 = arith.constant 3 : i32
      %eq3A_604 = arith.constant 0 : i32
      %eq3A_605 = arith.cmpi eq, %jit3A_603, %eq3A_604 : i32
      %jit3A_606 = arith.constant 1 : i32
      %select_n3A_607 = arith.select %eq3A_605, %jit3A_606, %jit3A_603 : i32
      %rem3A_608 = arith.remsi %sub3A_578, %select_n3A_607 : i32
      %ne3A_609 = arith.constant 0 : i32
      %ne3A_610 = arith.cmpi ne, %rem3A_608, %ne3A_609 : i32
      %lt3A_611 = arith.constant 0 : i32
      %lt3A_612 = arith.cmpi slt, %rem3A_608, %lt3A_611 : i32
      %lt3A_613 = arith.constant 0 : i32
      %lt3A_614 = arith.cmpi slt, %select_n3A_607, %lt3A_613 : i32
      %ne3A_615 = arith.xori %lt3A_612, %lt3A_614 : i1
      %and3A_616 = arith.andi %ne3A_615, %ne3A_610 : i1
      %add3A_617 = arith.addi %rem3A_608, %select_n3A_607 : i32
      %select_n3A_618 = arith.select %and3A_616, %add3A_617, %rem3A_608 : i32
      %mul3A_619 = arith.constant 24 : i32
      %mul3A_620 = arith.muli %add3A, %mul3A_619 : i32
      %add3A_621 = arith.addi %mul3A_620, %select_n3A_602 : i32
      %mul3A_622 = arith.constant 192 : i32
      %mul3A_623 = arith.muli %add3A_621, %mul3A_622 : i32
      %mul3A_624 = arith.constant 64 : i32
      %mul3A_625 = arith.muli %select_n3A_618, %mul3A_624 : i32
      %add3A_626 = arith.addi %mul3A_623, %mul3A_625 : i32
      %dma_start3A_627 = arith.constant 1 : i32
      %dma_start3A_628 = arith.constant 0 : i32
      %dma_start3A_629 = arith.constant 0 : i32
      %dma_start3A_630 = tpu.memref_slice %arg7[%dma_start3A_627, %dma_start3A_628, %dma_start3A_629] : memref<4x64x384xf32, #tpu.memory_space<vmem>> -> memref<1x64x384xf32, #tpu.memory_space<vmem>>
      %dma_start3A_631 = tpu.memref_squeeze %dma_start3A_630 : memref<1x64x384xf32, #tpu.memory_space<vmem>> -> memref<64x384xf32, #tpu.memory_space<vmem>>
      %dma_start3A_632 = arith.constant 0 : i32
      %dma_start3A_633 = tpu.memref_slice %arg4[%add3A_626, %dma_start3A_632] : memref<147456x384xf32, #tpu.memory_space<hbm>> -> memref<64x384xf32, #tpu.memory_space<hbm>>
      %dma_start3A_634 = arith.constant 0 : i32
      %dma_start3A_635 = tpu.memref_slice %arg4[%add3A_626, %dma_start3A_634] : memref<147456x384xf32, #tpu.memory_space<hbm>> -> memref<64x384xf32, #tpu.memory_space<hbm>>
      %dma_start3A_636 = arith.constant 0 : i32
      %dma_start3A_637 = arith.constant 0 : i32
      %dma_start3A_638 = tpu.memref_slice %arg7[%dma_start3A_627, %dma_start3A_636, %dma_start3A_637] : memref<4x64x384xf32, #tpu.memory_space<vmem>> -> memref<1x64x384xf32, #tpu.memory_space<vmem>>
      %dma_start3A_639 = tpu.memref_squeeze %dma_start3A_638 : memref<1x64x384xf32, #tpu.memory_space<vmem>> -> memref<64x384xf32, #tpu.memory_space<vmem>>
      tpu.enqueue_dma source(%dma_start3A_639 : memref<64x384xf32, #tpu.memory_space<vmem>>) target(%dma_start3A_635 : memref<64x384xf32, #tpu.memory_space<hbm>>) target_semaphore(%arg13 : memref<!tpu.dma_semaphore, #tpu.memory_space<semaphore_mem>>)
      %mul3A_640 = arith.constant 4 : i32
      %mul3A_641 = arith.muli %scan3A_113, %mul3A_640 : i32
      %add3A_642 = arith.constant 3 : i32
      %add3A_643 = arith.addi %mul3A_641, %add3A_642 : i32
      %gt3A_644 = arith.constant 0 : i32
      %gt3A_645 = arith.cmpi sgt, %scan3A_113, %gt3A_644 : i32
      %convert_element_type3A_646 = arith.extui %gt3A_645 : i1 to i32
      %cond3A_647 = arith.constant 0 : i32
      %cond3A_648 = arith.cmpi ne, %convert_element_type3A_646, %cond3A_647 : i32
      scf.if %cond3A_648 {
        %dma_wait3A_841 = arith.constant 3 : i32
        %dma_wait3A_842 = arith.constant 0 : i32
        %dma_wait3A_843 = arith.constant 0 : i32
        %dma_wait3A_844 = tpu.memref_slice %arg7[%dma_wait3A_841, %dma_wait3A_842, %dma_wait3A_843] : memref<4x64x384xf32, #tpu.memory_space<vmem>> -> memref<1x64x384xf32, #tpu.memory_space<vmem>>
        %dma_wait3A_845 = tpu.memref_squeeze %dma_wait3A_844 : memref<1x64x384xf32, #tpu.memory_space<vmem>> -> memref<64x384xf32, #tpu.memory_space<vmem>>
        %dma_wait3A_846 = arith.constant 0 : i32
        %dma_wait3A_847 = arith.constant 0 : i32
        %dma_wait3A_848 = tpu.memref_slice %arg4[%dma_wait3A_846, %dma_wait3A_847] : memref<147456x384xf32, #tpu.memory_space<hbm>> -> memref<64x384xf32, #tpu.memory_space<hbm>>
        %dma_wait3A_849 = arith.constant 0 : i32
        %dma_wait3A_850 = arith.constant 0 : i32
        %dma_wait3A_851 = tpu.memref_slice %arg4[%dma_wait3A_849, %dma_wait3A_850] : memref<147456x384xf32, #tpu.memory_space<hbm>> -> memref<64x384xf32, #tpu.memory_space<hbm>>
        %dma_wait3A_852 = arith.constant 0 : i32
        %dma_wait3A_853 = arith.constant 0 : i32
        %dma_wait3A_854 = tpu.memref_slice %arg7[%dma_wait3A_841, %dma_wait3A_852, %dma_wait3A_853] : memref<4x64x384xf32, #tpu.memory_space<vmem>> -> memref<1x64x384xf32, #tpu.memory_space<vmem>>
        %dma_wait3A_855 = tpu.memref_squeeze %dma_wait3A_854 : memref<1x64x384xf32, #tpu.memory_space<vmem>> -> memref<64x384xf32, #tpu.memory_space<vmem>>
        tpu.wait_dma2 semaphore(%arg15 : memref<!tpu.dma_semaphore, #tpu.memory_space<semaphore_mem>>) src(%dma_wait3A_855 : memref<64x384xf32, #tpu.memory_space<vmem>>) dst(%dma_wait3A_851 : memref<64x384xf32, #tpu.memory_space<hbm>>)
      } else {
      }
      %jit3A_649 = arith.constant 3 : i32
      %div3A_650 = arith.divsi %add3A_643, %jit3A_649 : i32
      %sign3A_651 = arith.constant 0 : i32
      %sign3A_652 = arith.cmpi sgt, %add3A_643, %sign3A_651 : i32
      %sign3A_653 = arith.extui %sign3A_652 : i1 to i32
      %sign3A_654 = arith.constant 0 : i32
      %sign3A_655 = arith.cmpi slt, %add3A_643, %sign3A_654 : i32
      %sign3A_656 = arith.extui %sign3A_655 : i1 to i32
      %sign3A_657 = arith.subi %sign3A_653, %sign3A_656 : i32
      %sign3A_658 = arith.constant 0 : i32
      %sign3A_659 = arith.cmpi sgt, %jit3A_649, %sign3A_658 : i32
      %sign3A_660 = arith.extui %sign3A_659 : i1 to i32
      %sign3A_661 = arith.constant 0 : i32
      %sign3A_662 = arith.cmpi slt, %jit3A_649, %sign3A_661 : i32
      %sign3A_663 = arith.extui %sign3A_662 : i1 to i32
      %sign3A_664 = arith.subi %sign3A_660, %sign3A_663 : i32
      %ne3A_665 = arith.cmpi ne, %sign3A_657, %sign3A_664 : i32
      %rem3A_666 = arith.remsi %add3A_643, %jit3A_649 : i32
      %ne3A_667 = arith.constant 0 : i32
      %ne3A_668 = arith.cmpi ne, %rem3A_666, %ne3A_667 : i32
      %and3A_669 = arith.andi %ne3A_665, %ne3A_668 : i1
      %sub3A_670 = arith.constant 1 : i32
      %sub3A_671 = arith.subi %div3A_650, %sub3A_670 : i32
      %select_n3A_672 = arith.select %and3A_669, %sub3A_671, %div3A_650 : i32
      %jit3A_673 = arith.constant 3 : i32
      %eq3A_674 = arith.constant 0 : i32
      %eq3A_675 = arith.cmpi eq, %jit3A_673, %eq3A_674 : i32
      %jit3A_676 = arith.constant 1 : i32
      %select_n3A_677 = arith.select %eq3A_675, %jit3A_676, %jit3A_673 : i32
      %rem3A_678 = arith.remsi %add3A_643, %select_n3A_677 : i32
      %ne3A_679 = arith.constant 0 : i32
      %ne3A_680 = arith.cmpi ne, %rem3A_678, %ne3A_679 : i32
      %lt3A_681 = arith.constant 0 : i32
      %lt3A_682 = arith.cmpi slt, %rem3A_678, %lt3A_681 : i32
      %lt3A_683 = arith.constant 0 : i32
      %lt3A_684 = arith.cmpi slt, %select_n3A_677, %lt3A_683 : i32
      %ne3A_685 = arith.xori %lt3A_682, %lt3A_684 : i1
      %and3A_686 = arith.andi %ne3A_685, %ne3A_680 : i1
      %add3A_687 = arith.addi %rem3A_678, %select_n3A_677 : i32
      %select_n3A_688 = arith.select %and3A_686, %add3A_687, %rem3A_678 : i32
      %mul3A_689 = arith.constant 24 : i32
      %mul3A_690 = arith.muli %add3A, %mul3A_689 : i32
      %add3A_691 = arith.addi %mul3A_690, %select_n3A_672 : i32
      %mul3A_692 = arith.constant 384 : i32
      %mul3A_693 = arith.muli %add3A_691, %mul3A_692 : i32
      %mul3A_694 = arith.constant 64 : i32
      %mul3A_695 = arith.muli %select_n3A_688, %mul3A_694 : i32
      %add3A_696 = arith.constant 0 : i32
      %add3A_697 = arith.addi %mul3A_695, %add3A_696 : i32
      %get3A_698 = arith.index_cast %add3A_697 : i32 to index
      %get3A_699 = tpu.vector_load %arg5[%get3A_698] {strides = array<i32>} : memref<192xi32, #tpu.memory_space<vmem>>, vector<16xi32>,
      %get3A_700 = vector.shape_cast %get3A_699 : vector<16xi32> to vector<16xi32>
      %add3A_701 = vector.broadcast %mul3A_693 : i32 to vector<16xi32>
      %add3A_702 = arith.addi %get3A_700, %add3A_701 : vector<16xi32>
      %swap3A_703 = arith.constant 3 : i32
      %swap3A_704 = arith.index_cast %swap3A_703 : i32 to index
      %swap3A_705 = arith.constant 0 : index
      %swap3A_706 = tpu.vector_load %arg6[%swap3A_704, %swap3A_705] {strides = array<i32>} : memref<4x64xi32, #tpu.memory_space<vmem>>, vector<1x16xi32>,
      %swap3A_707 = vector.shape_cast %swap3A_706 : vector<1x16xi32> to vector<16xi32>
      %swap3A_708 = vector.shape_cast %add3A_702 : vector<16xi32> to vector<1x16xi32>
      tpu.vector_store %arg6[%swap3A_704, %swap3A_705], %swap3A_708 {strides = array<i32>} : memref<4x64xi32, #tpu.memory_space<vmem>>, vector<1x16xi32>,
      %mul3A_709 = arith.constant 64 : i32
      %mul3A_710 = arith.muli %select_n3A_688, %mul3A_709 : i32
      %add3A_711 = arith.constant 16 : i32
      %add3A_712 = arith.addi %mul3A_710, %add3A_711 : i32
      %get3A_713 = arith.index_cast %add3A_712 : i32 to index
      %get3A_714 = tpu.vector_load %arg5[%get3A_713] {strides = array<i32>} : memref<192xi32, #tpu.memory_space<vmem>>, vector<16xi32>,
      %get3A_715 = vector.shape_cast %get3A_714 : vector<16xi32> to vector<16xi32>
      %add3A_716 = vector.broadcast %mul3A_693 : i32 to vector<16xi32>
      %add3A_717 = arith.addi %get3A_715, %add3A_716 : vector<16xi32>
      %swap3A_718 = arith.constant 3 : i32
      %swap3A_719 = arith.index_cast %swap3A_718 : i32 to index
      %swap3A_720 = arith.constant 16 : index
      %swap3A_721 = tpu.vector_load %arg6[%swap3A_719, %swap3A_720] {strides = array<i32>} : memref<4x64xi32, #tpu.memory_space<vmem>>, vector<1x16xi32>,
      %swap3A_722 = vector.shape_cast %swap3A_721 : vector<1x16xi32> to vector<16xi32>
      %swap3A_723 = vector.shape_cast %add3A_717 : vector<16xi32> to vector<1x16xi32>
      tpu.vector_store %arg6[%swap3A_719, %swap3A_720], %swap3A_723 {strides = array<i32>} : memref<4x64xi32, #tpu.memory_space<vmem>>, vector<1x16xi32>,
      %mul3A_724 = arith.constant 64 : i32
      %mul3A_725 = arith.muli %select_n3A_688, %mul3A_724 : i32
      %add3A_726 = arith.constant 32 : i32
      %add3A_727 = arith.addi %mul3A_725, %add3A_726 : i32
      %get3A_728 = arith.index_cast %add3A_727 : i32 to index
      %get3A_729 = tpu.vector_load %arg5[%get3A_728] {strides = array<i32>} : memref<192xi32, #tpu.memory_space<vmem>>, vector<16xi32>,
      %get3A_730 = vector.shape_cast %get3A_729 : vector<16xi32> to vector<16xi32>
      %add3A_731 = vector.broadcast %mul3A_693 : i32 to vector<16xi32>
      %add3A_732 = arith.addi %get3A_730, %add3A_731 : vector<16xi32>
      %swap3A_733 = arith.constant 3 : i32
      %swap3A_734 = arith.index_cast %swap3A_733 : i32 to index
      %swap3A_735 = arith.constant 32 : index
      %swap3A_736 = tpu.vector_load %arg6[%swap3A_734, %swap3A_735] {strides = array<i32>} : memref<4x64xi32, #tpu.memory_space<vmem>>, vector<1x16xi32>,
      %swap3A_737 = vector.shape_cast %swap3A_736 : vector<1x16xi32> to vector<16xi32>
      %swap3A_738 = vector.shape_cast %add3A_732 : vector<16xi32> to vector<1x16xi32>
      tpu.vector_store %arg6[%swap3A_734, %swap3A_735], %swap3A_738 {strides = array<i32>} : memref<4x64xi32, #tpu.memory_space<vmem>>, vector<1x16xi32>,
      %mul3A_739 = arith.constant 64 : i32
      %mul3A_740 = arith.muli %select_n3A_688, %mul3A_739 : i32
      %add3A_741 = arith.constant 48 : i32
      %add3A_742 = arith.addi %mul3A_740, %add3A_741 : i32
      %get3A_743 = arith.index_cast %add3A_742 : i32 to index
      %get3A_744 = tpu.vector_load %arg5[%get3A_743] {strides = array<i32>} : memref<192xi32, #tpu.memory_space<vmem>>, vector<16xi32>,
      %get3A_745 = vector.shape_cast %get3A_744 : vector<16xi32> to vector<16xi32>
      %add3A_746 = vector.broadcast %mul3A_693 : i32 to vector<16xi32>
      %add3A_747 = arith.addi %get3A_745, %add3A_746 : vector<16xi32>
      %swap3A_748 = arith.constant 3 : i32
      %swap3A_749 = arith.index_cast %swap3A_748 : i32 to index
      %swap3A_750 = arith.constant 48 : index
      %swap3A_751 = tpu.vector_load %arg6[%swap3A_749, %swap3A_750] {strides = array<i32>} : memref<4x64xi32, #tpu.memory_space<vmem>>, vector<1x16xi32>,
      %swap3A_752 = vector.shape_cast %swap3A_751 : vector<1x16xi32> to vector<16xi32>
      %swap3A_753 = vector.shape_cast %add3A_747 : vector<16xi32> to vector<1x16xi32>
      tpu.vector_store %arg6[%swap3A_749, %swap3A_750], %swap3A_753 {strides = array<i32>} : memref<4x64xi32, #tpu.memory_space<vmem>>, vector<1x16xi32>,
      %dma_start3A_754 = arith.constant 3 : i32
      %dma_start3A_755 = arith.constant 3 : i32
      %dma_start3A_756 = arith.constant 0 : i32
      %dma_start3A_757 = arith.constant 0 : i32
      %dma_start3A_758 = tpu.memref_slice %arg7[%dma_start3A_755, %dma_start3A_756, %dma_start3A_757] : memref<4x64x384xf32, #tpu.memory_space<vmem>> -> memref<1x64x384xf32, #tpu.memory_space<vmem>>
      %dma_start3A_759 = tpu.memref_squeeze %dma_start3A_758 : memref<1x64x384xf32, #tpu.memory_space<vmem>> -> memref<64x384xf32, #tpu.memory_space<vmem>>
      %dma_start3A_760 = arith.constant 0 : i32
      %dma_start3A_761 = tpu.memref_slice %arg6[%dma_start3A_754, %dma_start3A_760] : memref<4x64xi32, #tpu.memory_space<vmem>> -> memref<1x64xi32, #tpu.memory_space<vmem>>
      %dma_start3A_762 = tpu.memref_squeeze %dma_start3A_761 : memref<1x64xi32, #tpu.memory_space<vmem>> -> memref<64xi32, #tpu.memory_space<vmem>>
      %dma_start3A_763 = arith.constant 0 : i32
      %dma_start3A_764 = arith.constant 0 : i32
      %dma_start3A_765 = tpu.memref_slice %arg2[%dma_start3A_763, %dma_start3A_764] : memref<294912x384xf32, #tpu.memory_space<hbm>> -> memref<294912x384xf32, #tpu.memory_space<hbm>>
      tpu.enqueue_indirect_dma source(%dma_start3A_765 : memref<294912x384xf32, #tpu.memory_space<hbm>>) target(%dma_start3A_759 : memref<64x384xf32, #tpu.memory_space<vmem>>) offsets(%dma_start3A_762 : memref<64xi32, #tpu.memory_space<vmem>>) semaphore(%arg11 : memref<!tpu.dma_semaphore, #tpu.memory_space<semaphore_mem>>)
      %dma_wait3A_766 = arith.constant 2 : i32
      %dma_wait3A_767 = arith.constant 2 : i32
      %dma_wait3A_768 = arith.constant 0 : i32
      %dma_wait3A_769 = arith.constant 0 : i32
      %dma_wait3A_770 = tpu.memref_slice %arg7[%dma_wait3A_767, %dma_wait3A_768, %dma_wait3A_769] : memref<4x64x384xf32, #tpu.memory_space<vmem>> -> memref<1x64x384xf32, #tpu.memory_space<vmem>>
      %dma_wait3A_771 = tpu.memref_squeeze %dma_wait3A_770 : memref<1x64x384xf32, #tpu.memory_space<vmem>> -> memref<64x384xf32, #tpu.memory_space<vmem>>
      %dma_wait3A_772 = arith.constant 0 : i32
      %dma_wait3A_773 = tpu.memref_slice %arg6[%dma_wait3A_766, %dma_wait3A_772] : memref<4x64xi32, #tpu.memory_space<vmem>> -> memref<1x64xi32, #tpu.memory_space<vmem>>
      %dma_wait3A_774 = tpu.memref_squeeze %dma_wait3A_773 : memref<1x64xi32, #tpu.memory_space<vmem>> -> memref<64xi32, #tpu.memory_space<vmem>>
      %dma_wait3A_775 = arith.constant 0 : i32
      %dma_wait3A_776 = arith.constant 0 : i32
      %dma_wait3A_777 = tpu.memref_slice %arg2[%dma_wait3A_775, %dma_wait3A_776] : memref<294912x384xf32, #tpu.memory_space<hbm>> -> memref<294912x384xf32, #tpu.memory_space<hbm>>
      tpu.wait_indirect_dma semaphore(%arg10 : memref<!tpu.dma_semaphore, #tpu.memory_space<semaphore_mem>>) src(%dma_wait3A_777 : memref<294912x384xf32, #tpu.memory_space<hbm>>) dst(%dma_wait3A_771 : memref<64x384xf32, #tpu.memory_space<vmem>>)
      %sub3A_778 = arith.constant 1 : i32
      %sub3A_779 = arith.subi %add3A_643, %sub3A_778 : i32
      %jit3A_780 = arith.constant 3 : i32
      %div3A_781 = arith.divsi %sub3A_779, %jit3A_780 : i32
      %sign3A_782 = arith.constant 0 : i32
      %sign3A_783 = arith.cmpi sgt, %sub3A_779, %sign3A_782 : i32
      %sign3A_784 = arith.extui %sign3A_783 : i1 to i32
      %sign3A_785 = arith.constant 0 : i32
      %sign3A_786 = arith.cmpi slt, %sub3A_779, %sign3A_785 : i32
      %sign3A_787 = arith.extui %sign3A_786 : i1 to i32
      %sign3A_788 = arith.subi %sign3A_784, %sign3A_787 : i32
      %sign3A_789 = arith.constant 0 : i32
      %sign3A_790 = arith.cmpi sgt, %jit3A_780, %sign3A_789 : i32
      %sign3A_791 = arith.extui %sign3A_790 : i1 to i32
      %sign3A_792 = arith.constant 0 : i32
      %sign3A_793 = arith.cmpi slt, %jit3A_780, %sign3A_792 : i32
      %sign3A_794 = arith.extui %sign3A_793 : i1 to i32
      %sign3A_795 = arith.subi %sign3A_791, %sign3A_794 : i32
      %ne3A_796 = arith.cmpi ne, %sign3A_788, %sign3A_795 : i32
      %rem3A_797 = arith.remsi %sub3A_779, %jit3A_780 : i32
      %ne3A_798 = arith.constant 0 : i32
      %ne3A_799 = arith.cmpi ne, %rem3A_797, %ne3A_798 : i32
      %and3A_800 = arith.andi %ne3A_796, %ne3A_799 : i1
      %sub3A_801 = arith.constant 1 : i32
      %sub3A_802 = arith.subi %div3A_781, %sub3A_801 : i32
      %select_n3A_803 = arith.select %and3A_800, %sub3A_802, %div3A_781 : i32
      %jit3A_804 = arith.constant 3 : i32
      %eq3A_805 = arith.constant 0 : i32
      %eq3A_806 = arith.cmpi eq, %jit3A_804, %eq3A_805 : i32
      %jit3A_807 = arith.constant 1 : i32
      %select_n3A_808 = arith.select %eq3A_806, %jit3A_807, %jit3A_804 : i32
      %rem3A_809 = arith.remsi %sub3A_779, %select_n3A_808 : i32
      %ne3A_810 = arith.constant 0 : i32
      %ne3A_811 = arith.cmpi ne, %rem3A_809, %ne3A_810 : i32
      %lt3A_812 = arith.constant 0 : i32
      %lt3A_813 = arith.cmpi slt, %rem3A_809, %lt3A_812 : i32
      %lt3A_814 = arith.constant 0 : i32
      %lt3A_815 = arith.cmpi slt, %select_n3A_808, %lt3A_814 : i32
      %ne3A_816 = arith.xori %lt3A_813, %lt3A_815 : i1
      %and3A_817 = arith.andi %ne3A_816, %ne3A_811 : i1
      %add3A_818 = arith.addi %rem3A_809, %select_n3A_808 : i32
      %select_n3A_819 = arith.select %and3A_817, %add3A_818, %rem3A_809 : i32
      %mul3A_820 = arith.constant 24 : i32
      %mul3A_821 = arith.muli %add3A, %mul3A_820 : i32
      %add3A_822 = arith.addi %mul3A_821, %select_n3A_803 : i32
      %mul3A_823 = arith.constant 192 : i32
      %mul3A_824 = arith.muli %add3A_822, %mul3A_823 : i32
      %mul3A_825 = arith.constant 64 : i32
      %mul3A_826 = arith.muli %select_n3A_819, %mul3A_825 : i32
      %add3A_827 = arith.addi %mul3A_824, %mul3A_826 : i32
      %dma_start3A_828 = arith.constant 2 : i32
      %dma_start3A_829 = arith.constant 0 : i32
      %dma_start3A_830 = arith.constant 0 : i32
      %dma_start3A_831 = tpu.memref_slice %arg7[%dma_start3A_828, %dma_start3A_829, %dma_start3A_830] : memref<4x64x384xf32, #tpu.memory_space<vmem>> -> memref<1x64x384xf32, #tpu.memory_space<vmem>>
      %dma_start3A_832 = tpu.memref_squeeze %dma_start3A_831 : memref<1x64x384xf32, #tpu.memory_space<vmem>> -> memref<64x384xf32, #tpu.memory_space<vmem>>
      %dma_start3A_833 = arith.constant 0 : i32
      %dma_start3A_834 = tpu.memref_slice %arg4[%add3A_827, %dma_start3A_833] : memref<147456x384xf32, #tpu.memory_space<hbm>> -> memref<64x384xf32, #tpu.memory_space<hbm>>
      %dma_start3A_835 = arith.constant 0 : i32
      %dma_start3A_836 = tpu.memref_slice %arg4[%add3A_827, %dma_start3A_835] : memref<147456x384xf32, #tpu.memory_space<hbm>> -> memref<64x384xf32, #tpu.memory_space<hbm>>
      %dma_start3A_837 = arith.constant 0 : i32
      %dma_start3A_838 = arith.constant 0 : i32
      %dma_start3A_839 = tpu.memref_slice %arg7[%dma_start3A_828, %dma_start3A_837, %dma_start3A_838] : memref<4x64x384xf32, #tpu.memory_space<vmem>> -> memref<1x64x384xf32, #tpu.memory_space<vmem>>
      %dma_start3A_840 = tpu.memref_squeeze %dma_start3A_839 : memref<1x64x384xf32, #tpu.memory_space<vmem>> -> memref<64x384xf32, #tpu.memory_space<vmem>>
      tpu.enqueue_dma source(%dma_start3A_840 : memref<64x384xf32, #tpu.memory_space<vmem>>) target(%dma_start3A_836 : memref<64x384xf32, #tpu.memory_space<hbm>>) target_semaphore(%arg14 : memref<!tpu.dma_semaphore, #tpu.memory_space<semaphore_mem>>)
    }
    %scan3A_21 = arith.constant 18 : i32
    %dma_wait3A = arith.constant 3 : i32
    %dma_wait3A_22 = arith.constant 3 : i32
    %dma_wait3A_23 = arith.constant 0 : i32
    %dma_wait3A_24 = arith.constant 0 : i32
    %dma_wait3A_25 = tpu.memref_slice %arg7[%dma_wait3A_22, %dma_wait3A_23, %dma_wait3A_24] : memref<4x64x384xf32, #tpu.memory_space<vmem>> -> memref<1x64x384xf32, #tpu.memory_space<vmem>>
    %dma_wait3A_26 = tpu.memref_squeeze %dma_wait3A_25 : memref<1x64x384xf32, #tpu.memory_space<vmem>> -> memref<64x384xf32, #tpu.memory_space<vmem>>
    %dma_wait3A_27 = arith.constant 0 : i32
    %dma_wait3A_28 = tpu.memref_slice %arg6[%dma_wait3A, %dma_wait3A_27] : memref<4x64xi32, #tpu.memory_space<vmem>> -> memref<1x64xi32, #tpu.memory_space<vmem>>
    %dma_wait3A_29 = tpu.memref_squeeze %dma_wait3A_28 : memref<1x64xi32, #tpu.memory_space<vmem>> -> memref<64xi32, #tpu.memory_space<vmem>>
    %dma_wait3A_30 = arith.constant 0 : i32
    %dma_wait3A_31 = arith.constant 0 : i32
    %dma_wait3A_32 = tpu.memref_slice %arg2[%dma_wait3A_30, %dma_wait3A_31] : memref<294912x384xf32, #tpu.memory_space<hbm>> -> memref<294912x384xf32, #tpu.memory_space<hbm>>
    tpu.wait_indirect_dma semaphore(%arg11 : memref<!tpu.dma_semaphore, #tpu.memory_space<semaphore_mem>>) src(%dma_wait3A_32 : memref<294912x384xf32, #tpu.memory_space<hbm>>) dst(%dma_wait3A_26 : memref<64x384xf32, #tpu.memory_space<vmem>>)
    %mul3A_33 = arith.constant 24 : i32
    %mul3A_34 = arith.muli %add3A, %mul3A_33 : i32
    %add3A_35 = arith.constant 23 : i32
    %add3A_36 = arith.addi %mul3A_34, %add3A_35 : i32
    %mul3A_37 = arith.constant 192 : i32
    %mul3A_38 = arith.muli %add3A_36, %mul3A_37 : i32
    %add3A_39 = arith.constant 128 : i32
    %add3A_40 = arith.addi %mul3A_38, %add3A_39 : i32
    %dma_start3A = arith.constant 3 : i32
    %dma_start3A_41 = arith.constant 0 : i32
    %dma_start3A_42 = arith.constant 0 : i32
    %dma_start3A_43 = tpu.memref_slice %arg7[%dma_start3A, %dma_start3A_41, %dma_start3A_42] : memref<4x64x384xf32, #tpu.memory_space<vmem>> -> memref<1x64x384xf32, #tpu.memory_space<vmem>>
    %dma_start3A_44 = tpu.memref_squeeze %dma_start3A_43 : memref<1x64x384xf32, #tpu.memory_space<vmem>> -> memref<64x384xf32, #tpu.memory_space<vmem>>
    %dma_start3A_45 = arith.constant 0 : i32
    %dma_start3A_46 = tpu.memref_slice %arg4[%add3A_40, %dma_start3A_45] : memref<147456x384xf32, #tpu.memory_space<hbm>> -> memref<64x384xf32, #tpu.memory_space<hbm>>
    %dma_start3A_47 = arith.constant 0 : i32
    %dma_start3A_48 = tpu.memref_slice %arg4[%add3A_40, %dma_start3A_47] : memref<147456x384xf32, #tpu.memory_space<hbm>> -> memref<64x384xf32, #tpu.memory_space<hbm>>
    %dma_start3A_49 = arith.constant 0 : i32
    %dma_start3A_50 = arith.constant 0 : i32
    %dma_start3A_51 = tpu.memref_slice %arg7[%dma_start3A, %dma_start3A_49, %dma_start3A_50] : memref<4x64x384xf32, #tpu.memory_space<vmem>> -> memref<1x64x384xf32, #tpu.memory_space<vmem>>
    %dma_start3A_52 = tpu.memref_squeeze %dma_start3A_51 : memref<1x64x384xf32, #tpu.memory_space<vmem>> -> memref<64x384xf32, #tpu.memory_space<vmem>>
    tpu.enqueue_dma source(%dma_start3A_52 : memref<64x384xf32, #tpu.memory_space<vmem>>) target(%dma_start3A_48 : memref<64x384xf32, #tpu.memory_space<hbm>>) target_semaphore(%arg15 : memref<!tpu.dma_semaphore, #tpu.memory_space<semaphore_mem>>)
    %dma_wait3A_53 = arith.constant 0 : i32
    %dma_wait3A_54 = arith.constant 0 : i32
    %dma_wait3A_55 = arith.constant 0 : i32
    %dma_wait3A_56 = tpu.memref_slice %arg7[%dma_wait3A_53, %dma_wait3A_54, %dma_wait3A_55] : memref<4x64x384xf32, #tpu.memory_space<vmem>> -> memref<1x64x384xf32, #tpu.memory_space<vmem>>
    %dma_wait3A_57 = tpu.memref_squeeze %dma_wait3A_56 : memref<1x64x384xf32, #tpu.memory_space<vmem>> -> memref<64x384xf32, #tpu.memory_space<vmem>>
    %dma_wait3A_58 = arith.constant 0 : i32
    %dma_wait3A_59 = arith.constant 0 : i32
    %dma_wait3A_60 = tpu.memref_slice %arg4[%dma_wait3A_58, %dma_wait3A_59] : memref<147456x384xf32, #tpu.memory_space<hbm>> -> memref<64x384xf32, #tpu.memory_space<hbm>>
    %dma_wait3A_61 = arith.constant 0 : i32
    %dma_wait3A_62 = arith.constant 0 : i32
    %dma_wait3A_63 = tpu.memref_slice %arg4[%dma_wait3A_61, %dma_wait3A_62] : memref<147456x384xf32, #tpu.memory_space<hbm>> -> memref<64x384xf32, #tpu.memory_space<hbm>>
    %dma_wait3A_64 = arith.constant 0 : i32
    %dma_wait3A_65 = arith.constant 0 : i32
    %dma_wait3A_66 = tpu.memref_slice %arg7[%dma_wait3A_53, %dma_wait3A_64, %dma_wait3A_65] : memref<4x64x384xf32, #tpu.memory_space<vmem>> -> memref<1x64x384xf32, #tpu.memory_space<vmem>>
    %dma_wait3A_67 = tpu.memref_squeeze %dma_wait3A_66 : memref<1x64x384xf32, #tpu.memory_space<vmem>> -> memref<64x384xf32, #tpu.memory_space<vmem>>
    tpu.wait_dma2 semaphore(%arg12 : memref<!tpu.dma_semaphore, #tpu.memory_space<semaphore_mem>>) src(%dma_wait3A_67 : memref<64x384xf32, #tpu.memory_space<vmem>>) dst(%dma_wait3A_63 : memref<64x384xf32, #tpu.memory_space<hbm>>)
    %dma_wait3A_68 = arith.constant 1 : i32
    %dma_wait3A_69 = arith.constant 0 : i32
    %dma_wait3A_70 = arith.constant 0 : i32
    %dma_wait3A_71 = tpu.memref_slice %arg7[%dma_wait3A_68, %dma_wait3A_69, %dma_wait3A_70] : memref<4x64x384xf32, #tpu.memory_space<vmem>> -> memref<1x64x384xf32, #tpu.memory_space<vmem>>
    %dma_wait3A_72 = tpu.memref_squeeze %dma_wait3A_71 : memref<1x64x384xf32, #tpu.memory_space<vmem>> -> memref<64x384xf32, #tpu.memory_space<vmem>>
    %dma_wait3A_73 = arith.constant 0 : i32
    %dma_wait3A_74 = arith.constant 0 : i32
    %dma_wait3A_75 = tpu.memref_slice %arg4[%dma_wait3A_73, %dma_wait3A_74] : memref<147456x384xf32, #tpu.memory_space<hbm>> -> memref<64x384xf32, #tpu.memory_space<hbm>>
    %dma_wait3A_76 = arith.constant 0 : i32
    %dma_wait3A_77 = arith.constant 0 : i32
    %dma_wait3A_78 = tpu.memref_slice %arg4[%dma_wait3A_76, %dma_wait3A_77] : memref<147456x384xf32, #tpu.memory_space<hbm>> -> memref<64x384xf32, #tpu.memory_space<hbm>>
    %dma_wait3A_79 = arith.constant 0 : i32
    %dma_wait3A_80 = arith.constant 0 : i32
    %dma_wait3A_81 = tpu.memref_slice %arg7[%dma_wait3A_68, %dma_wait3A_79, %dma_wait3A_80] : memref<4x64x384xf32, #tpu.memory_space<vmem>> -> memref<1x64x384xf32, #tpu.memory_space<vmem>>
    %dma_wait3A_82 = tpu.memref_squeeze %dma_wait3A_81 : memref<1x64x384xf32, #tpu.memory_space<vmem>> -> memref<64x384xf32, #tpu.memory_space<vmem>>
    tpu.wait_dma2 semaphore(%arg13 : memref<!tpu.dma_semaphore, #tpu.memory_space<semaphore_mem>>) src(%dma_wait3A_82 : memref<64x384xf32, #tpu.memory_space<vmem>>) dst(%dma_wait3A_78 : memref<64x384xf32, #tpu.memory_space<hbm>>)
    %dma_wait3A_83 = arith.constant 2 : i32
    %dma_wait3A_84 = arith.constant 0 : i32
    %dma_wait3A_85 = arith.constant 0 : i32
    %dma_wait3A_86 = tpu.memref_slice %arg7[%dma_wait3A_83, %dma_wait3A_84, %dma_wait3A_85] : memref<4x64x384xf32, #tpu.memory_space<vmem>> -> memref<1x64x384xf32, #tpu.memory_space<vmem>>
    %dma_wait3A_87 = tpu.memref_squeeze %dma_wait3A_86 : memref<1x64x384xf32, #tpu.memory_space<vmem>> -> memref<64x384xf32, #tpu.memory_space<vmem>>
    %dma_wait3A_88 = arith.constant 0 : i32
    %dma_wait3A_89 = arith.constant 0 : i32
    %dma_wait3A_90 = tpu.memref_slice %arg4[%dma_wait3A_88, %dma_wait3A_89] : memref<147456x384xf32, #tpu.memory_space<hbm>> -> memref<64x384xf32, #tpu.memory_space<hbm>>
    %dma_wait3A_91 = arith.constant 0 : i32
    %dma_wait3A_92 = arith.constant 0 : i32
    %dma_wait3A_93 = tpu.memref_slice %arg4[%dma_wait3A_91, %dma_wait3A_92] : memref<147456x384xf32, #tpu.memory_space<hbm>> -> memref<64x384xf32, #tpu.memory_space<hbm>>
    %dma_wait3A_94 = arith.constant 0 : i32
    %dma_wait3A_95 = arith.constant 0 : i32
    %dma_wait3A_96 = tpu.memref_slice %arg7[%dma_wait3A_83, %dma_wait3A_94, %dma_wait3A_95] : memref<4x64x384xf32, #tpu.memory_space<vmem>> -> memref<1x64x384xf32, #tpu.memory_space<vmem>>
    %dma_wait3A_97 = tpu.memref_squeeze %dma_wait3A_96 : memref<1x64x384xf32, #tpu.memory_space<vmem>> -> memref<64x384xf32, #tpu.memory_space<vmem>>
    tpu.wait_dma2 semaphore(%arg14 : memref<!tpu.dma_semaphore, #tpu.memory_space<semaphore_mem>>) src(%dma_wait3A_97 : memref<64x384xf32, #tpu.memory_space<vmem>>) dst(%dma_wait3A_93 : memref<64x384xf32, #tpu.memory_space<hbm>>)
    %dma_wait3A_98 = arith.constant 3 : i32
    %dma_wait3A_99 = arith.constant 0 : i32
    %dma_wait3A_100 = arith.constant 0 : i32
    %dma_wait3A_101 = tpu.memref_slice %arg7[%dma_wait3A_98, %dma_wait3A_99, %dma_wait3A_100] : memref<4x64x384xf32, #tpu.memory_space<vmem>> -> memref<1x64x384xf32, #tpu.memory_space<vmem>>
    %dma_wait3A_102 = tpu.memref_squeeze %dma_wait3A_101 : memref<1x64x384xf32, #tpu.memory_space<vmem>> -> memref<64x384xf32, #tpu.memory_space<vmem>>
    %dma_wait3A_103 = arith.constant 0 : i32
    %dma_wait3A_104 = arith.constant 0 : i32
    %dma_wait3A_105 = tpu.memref_slice %arg4[%dma_wait3A_103, %dma_wait3A_104] : memref<147456x384xf32, #tpu.memory_space<hbm>> -> memref<64x384xf32, #tpu.memory_space<hbm>>
    %dma_wait3A_106 = arith.constant 0 : i32
    %dma_wait3A_107 = arith.constant 0 : i32
    %dma_wait3A_108 = tpu.memref_slice %arg4[%dma_wait3A_106, %dma_wait3A_107] : memref<147456x384xf32, #tpu.memory_space<hbm>> -> memref<64x384xf32, #tpu.memory_space<hbm>>
    %dma_wait3A_109 = arith.constant 0 : i32
    %dma_wait3A_110 = arith.constant 0 : i32
    %dma_wait3A_111 = tpu.memref_slice %arg7[%dma_wait3A_98, %dma_wait3A_109, %dma_wait3A_110] : memref<4x64x384xf32, #tpu.memory_space<vmem>> -> memref<1x64x384xf32, #tpu.memory_space<vmem>>
    %dma_wait3A_112 = tpu.memref_squeeze %dma_wait3A_111 : memref<1x64x384xf32, #tpu.memory_space<vmem>> -> memref<64x384xf32, #tpu.memory_space<vmem>>
    tpu.wait_dma2 semaphore(%arg15 : memref<!tpu.dma_semaphore, #tpu.memory_space<semaphore_mem>>) src(%dma_wait3A_112 : memref<64x384xf32, #tpu.memory_space<vmem>>) dst(%dma_wait3A_108 : memref<64x384xf32, #tpu.memory_space<hbm>>)
    return
  }
}

module attributes {stable_mosaic.version = 14 : i64} {
  func.func @_maxpool_body(%arg0: i32, %arg1: i32, %arg2: memref<1x16x384x384xf32, #tpu.memory_space<vmem>>, %arg3: memref<1x1x384xf32, #tpu.memory_space<vmem>>) attributes {dimension_semantics = [#tpu.dimension_semantics<arbitrary>, #tpu.dimension_semantics<arbitrary>], iteration_bounds = array<i64: 8, 6>, scalar_prefetch = 0 : i64, scratch_operands = 0 : i64, tpu.core_type = #tpu.core_type<tc>, window_params = [{transform_indices = @transform_0, window_bounds = array<i64: 1, 16, 384, 384>}, {transform_indices = @transform_1, window_bounds = array<i64: 1, 1, 384>}]} {
    %get3A = arith.constant 0 : index
    %get3A_0 = arith.constant 0 : index
    %get3A_1 = arith.constant 0 : index
    %get3A_2 = arith.constant 0 : index
    %get3A_3 = vector.load %arg2[%get3A, %get3A_0, %get3A_1, %get3A_2] : memref<1x16x384x384xf32, #tpu.memory_space<vmem>>, vector<1x16x384x384xf32>
    %get3A_4 = vector.shape_cast %get3A_3 : vector<1x16x384x384xf32> to vector<16x384x384xf32>
    %reduce_max3A = arith.constant dense<0xFF800000> : vector<384xf32>
    %reduce_max3A_5 = vector.multi_reduction <maximumf>, %get3A_4, %reduce_max3A [0, 2] : vector<16x384x384xf32> to vector<384xf32>
    %broadcast_in_dim3A = vector.shape_cast %reduce_max3A_5 : vector<384xf32> to vector<1x1x384xf32>
    %eq3A = arith.constant 0 : i32
    %eq3A_6 = arith.cmpi eq, %arg1, %eq3A : i32
    %convert_element_type3A = arith.extui %eq3A_6 : i1 to i32
    %cond3A = arith.constant 0 : i32
    %cond3A_7 = arith.cmpi ne, %convert_element_type3A, %cond3A : i32
    scf.if %cond3A_7 {
      %swap3A = arith.constant 0 : index
      %swap3A_12 = arith.constant 0 : index
      %swap3A_13 = arith.constant 0 : index
      %swap3A_14 = vector.load %arg3[%swap3A, %swap3A_12, %swap3A_13] : memref<1x1x384xf32, #tpu.memory_space<vmem>>, vector<1x1x384xf32>
      tpu.vector_store %arg3[%swap3A, %swap3A_12, %swap3A_13], %broadcast_in_dim3A {strides = array<i32>} : memref<1x1x384xf32, #tpu.memory_space<vmem>>, vector<1x1x384xf32>,
    } else {
    }
    %gt3A = arith.constant 0 : i32
    %gt3A_8 = arith.cmpi sgt, %arg1, %gt3A : i32
    %convert_element_type3A_9 = arith.extui %gt3A_8 : i1 to i32
    %cond3A_10 = arith.constant 0 : i32
    %cond3A_11 = arith.cmpi ne, %convert_element_type3A_9, %cond3A_10 : i32
    scf.if %cond3A_11 {
      %get3A_12 = arith.constant 0 : index
      %get3A_13 = arith.constant 0 : index
      %get3A_14 = arith.constant 0 : index
      %get3A_15 = vector.load %arg3[%get3A_12, %get3A_13, %get3A_14] : memref<1x1x384xf32, #tpu.memory_space<vmem>>, vector<1x1x384xf32>
      %max3A = arith.maximumf %get3A_15, %broadcast_in_dim3A : vector<1x1x384xf32>
      %swap3A = arith.constant 0 : index
      %swap3A_16 = arith.constant 0 : index
      %swap3A_17 = arith.constant 0 : index
      %swap3A_18 = vector.load %arg3[%swap3A, %swap3A_16, %swap3A_17] : memref<1x1x384xf32, #tpu.memory_space<vmem>>, vector<1x1x384xf32>
      tpu.vector_store %arg3[%swap3A, %swap3A_16, %swap3A_17], %max3A {strides = array<i32>} : memref<1x1x384xf32, #tpu.memory_space<vmem>>, vector<1x1x384xf32>,
    } else {
    }
    return
  }
  func.func @transform_0(%arg0: i32, %arg1: i32) -> (i32, i32, i32, i32) {
    %c0_i32 = arith.constant 0 : i32
    %c0_i32_0 = arith.constant 0 : i32
    %c0_i32_1 = arith.constant 0 : i32
    return %arg0, %arg1, %c0_i32, %c0_i32_0 : i32, i32, i32, i32
  }
  func.func @transform_1(%arg0: i32, %arg1: i32) -> (i32, i32, i32) {
    %c0_i32 = arith.constant 0 : i32
    %c0_i32_0 = arith.constant 0 : i32
    %c0_i32_1 = arith.constant 0 : i32
    return %arg0, %c0_i32, %c0_i32_0 : i32, i32, i32
  }
}

module attributes {stable_mosaic.version = 14 : i64} {
  func.func @_mlp_topk_body(%arg0: memref<8x384xf32, #tpu.memory_space<vmem>>, %arg1: memref<96x384xf32, #tpu.memory_space<vmem>>, %arg2: memref<1x96xf32, #tpu.memory_space<vmem>>, %arg3: memref<1x96xf32, #tpu.memory_space<vmem>>, %arg4: memref<1x96xf32, #tpu.memory_space<vmem>>, %arg5: memref<384x96xf32, #tpu.memory_space<vmem>>, %arg6: memref<1x384xf32, #tpu.memory_space<vmem>>, %arg7: memref<8x192xi32, #tpu.memory_space<vmem>>) attributes {dimension_semantics = [], scalar_prefetch = 0 : i64, scratch_operands = 0 : i64, tpu.core_type = #tpu.core_type<tc>} {
    %get3A = arith.constant 0 : index
    %get3A_0 = arith.constant 0 : index
    %get3A_1 = vector.load %arg0[%get3A, %get3A_0] : memref<8x384xf32, #tpu.memory_space<vmem>>, vector<8x384xf32>
    %get3A_2 = arith.constant 0 : index
    %get3A_3 = arith.constant 0 : index
    %get3A_4 = vector.load %arg1[%get3A_2, %get3A_3] : memref<96x384xf32, #tpu.memory_space<vmem>>, vector<96x384xf32>
    %dot_general3A = arith.constant dense<0.000000e+00> : vector<8x96xf32>
    %dot_general3A_5 = tpu.matmul %get3A_1, %get3A_4, %dot_general3A {dimension_numbers = #tpu.dot_dimension_numbers<[1], [1], [0], [0], [0, 0, 1, 0], [], []>, transpose_lhs_hint = false} : vector<8x384xf32>, vector<96x384xf32>, vector<8x96xf32> -> vector<8x96xf32>
    %get3A_6 = arith.constant 0 : index
    %get3A_7 = arith.constant 0 : index
    %get3A_8 = vector.load %arg2[%get3A_6, %get3A_7] : memref<1x96xf32, #tpu.memory_space<vmem>>, vector<1x96xf32>
    %add3A = vector.broadcast %get3A_8 : vector<1x96xf32> to vector<8x96xf32>
    %add3A_9 = arith.addf %dot_general3A_5, %add3A : vector<8x96xf32>
    %reduce_sum3A = arith.constant dense<0.000000e+00> : vector<96xf32>
    %reduce_sum3A_10 = vector.multi_reduction <add>, %add3A_9, %reduce_sum3A [0] : vector<8x96xf32> to vector<96xf32>
    %broadcast_in_dim3A = vector.shape_cast %reduce_sum3A_10 : vector<96xf32> to vector<1x96xf32>
    %div3A = arith.constant 8.000000e+00 : f32
    %div3A_11 = vector.broadcast %div3A : f32 to vector<1x96xf32>
    %div3A_12 = arith.divf %broadcast_in_dim3A, %div3A_11 : vector<1x96xf32>
    %sub3A = vector.broadcast %div3A_12 : vector<1x96xf32> to vector<8x96xf32>
    %sub3A_13 = arith.subf %add3A_9, %sub3A : vector<8x96xf32>
    %mul3A = arith.mulf %sub3A_13, %sub3A_13 : vector<8x96xf32>
    %reduce_sum3A_14 = arith.constant dense<0.000000e+00> : vector<96xf32>
    %reduce_sum3A_15 = vector.multi_reduction <add>, %mul3A, %reduce_sum3A_14 [0] : vector<8x96xf32> to vector<96xf32>
    %broadcast_in_dim3A_16 = vector.shape_cast %reduce_sum3A_15 : vector<96xf32> to vector<1x96xf32>
    %div3A_17 = arith.constant 8.000000e+00 : f32
    %div3A_18 = vector.broadcast %div3A_17 : f32 to vector<1x96xf32>
    %div3A_19 = arith.divf %broadcast_in_dim3A_16, %div3A_18 : vector<1x96xf32>
    %add3A_20 = arith.constant 9.99999974E-6 : f32
    %add3A_21 = vector.broadcast %add3A_20 : f32 to vector<1x96xf32>
    %add3A_22 = arith.addf %div3A_19, %add3A_21 : vector<1x96xf32>
    %sqrt3A = math.sqrt %add3A_22 : vector<1x96xf32>
    %div3A_23 = vector.broadcast %sqrt3A : vector<1x96xf32> to vector<8x96xf32>
    %div3A_24 = arith.divf %sub3A_13, %div3A_23 : vector<8x96xf32>
    %get3A_25 = arith.constant 0 : index
    %get3A_26 = arith.constant 0 : index
    %get3A_27 = vector.load %arg3[%get3A_25, %get3A_26] : memref<1x96xf32, #tpu.memory_space<vmem>>, vector<1x96xf32>
    %mul3A_28 = vector.broadcast %get3A_27 : vector<1x96xf32> to vector<8x96xf32>
    %mul3A_29 = arith.mulf %div3A_24, %mul3A_28 : vector<8x96xf32>
    %get3A_30 = arith.constant 0 : index
    %get3A_31 = arith.constant 0 : index
    %get3A_32 = vector.load %arg4[%get3A_30, %get3A_31] : memref<1x96xf32, #tpu.memory_space<vmem>>, vector<1x96xf32>
    %add3A_33 = vector.broadcast %get3A_32 : vector<1x96xf32> to vector<8x96xf32>
    %add3A_34 = arith.addf %mul3A_29, %add3A_33 : vector<8x96xf32>
    %max3A = arith.constant 0.000000e+00 : f32
    %max3A_35 = vector.broadcast %max3A : f32 to vector<8x96xf32>
    %max3A_36 = arith.maximumf %add3A_34, %max3A_35 : vector<8x96xf32>
    %get3A_37 = arith.constant 0 : index
    %get3A_38 = arith.constant 0 : index
    %get3A_39 = vector.load %arg5[%get3A_37, %get3A_38] : memref<384x96xf32, #tpu.memory_space<vmem>>, vector<384x96xf32>
    %dot_general3A_40 = arith.constant dense<0.000000e+00> : vector<8x384xf32>
    %dot_general3A_41 = tpu.matmul %max3A_36, %get3A_39, %dot_general3A_40 {dimension_numbers = #tpu.dot_dimension_numbers<[1], [1], [0], [0], [0, 0, 1, 0], [], []>, transpose_lhs_hint = false} : vector<8x96xf32>, vector<384x96xf32>, vector<8x384xf32> -> vector<8x384xf32>
    %get3A_42 = arith.constant 0 : index
    %get3A_43 = arith.constant 0 : index
    %get3A_44 = vector.load %arg6[%get3A_42, %get3A_43] : memref<1x384xf32, #tpu.memory_space<vmem>>, vector<1x384xf32>
    %add3A_45 = vector.broadcast %get3A_44 : vector<1x384xf32> to vector<8x384xf32>
    %add3A_46 = arith.addf %dot_general3A_41, %add3A_45 : vector<8x384xf32>
    %iota3A = tpu.iota {dimensions = array<i32: 1>} : vector<384x384xi32>
    %iota3A_47 = tpu.iota {dimensions = array<i32: 0>} : vector<384x384xi32>
    %eq3A = arith.cmpi eq, %iota3A, %iota3A_47 : vector<384x384xi32>
    %convert_element_type3A = arith.extui %eq3A : vector<384x384xi1> to vector<384x384xi32>
    %convert_element_type3A_48 = arith.sitofp %convert_element_type3A : vector<384x384xi32> to vector<384x384xf32>
    %lt3A = arith.cmpi slt, %iota3A_47, %iota3A : vector<384x384xi32>
    %convert_element_type3A_49 = arith.extui %lt3A : vector<384x384xi1> to vector<384x384xi32>
    %convert_element_type3A_50 = arith.sitofp %convert_element_type3A_49 : vector<384x384xi32> to vector<384x384xf32>
    %dot_general3A_51 = arith.constant dense<0.000000e+00> : vector<384x8xf32>
    %dot_general3A_52 = tpu.matmul %convert_element_type3A_48, %add3A_46, %dot_general3A_51 {dimension_numbers = #tpu.dot_dimension_numbers<[1], [1], [0], [0], [0, 0, 1, 0], [], []>, precision = #tpu.contract_precision<fp32>, transpose_lhs_hint = false} : vector<384x384xf32>, vector<8x384xf32>, vector<384x8xf32> -> vector<384x8xf32>
    %iota3A_53 = tpu.iota {dimensions = array<i32: 1>} : vector<1x384xi32>
    %convert_element_type3A_54 = arith.sitofp %iota3A_53 : vector<1x384xi32> to vector<1x384xf32>
    %iota3A_55 = tpu.iota {dimensions = array<i32: 1>} : vector<384x192xi32>
    %convert_element_type3A_56 = arith.sitofp %iota3A_55 : vector<384x192xi32> to vector<384x192xf32>
    %slice3A = vector.extract_strided_slice %add3A_46 {offsets = [0, 0], sizes = [1, 384], strides = [1, 1]} : vector<8x384xf32> to vector<1x384xf32>
    %slice3A_57 = vector.extract_strided_slice %dot_general3A_52 {offsets = [0, 0], sizes = [384, 1], strides = [1, 1]} : vector<384x8xf32> to vector<384x1xf32>
    %gt3A = vector.broadcast %slice3A_57 : vector<384x1xf32> to vector<384x384xf32>
    %gt3A_58 = vector.broadcast %slice3A : vector<1x384xf32> to vector<384x384xf32>
    %gt3A_59 = arith.cmpf ogt, %gt3A, %gt3A_58 : vector<384x384xf32>
    %eq3A_60 = vector.broadcast %slice3A_57 : vector<384x1xf32> to vector<384x384xf32>
    %eq3A_61 = vector.broadcast %slice3A : vector<1x384xf32> to vector<384x384xf32>
    %eq3A_62 = arith.cmpf oeq, %eq3A_60, %eq3A_61 : vector<384x384xf32>
    %lt3A_63 = arith.cmpi slt, %iota3A_47, %iota3A : vector<384x384xi32>
    %and3A = arith.andi %eq3A_62, %lt3A_63 : vector<384x384xi1>
    %or3A = arith.ori %gt3A_59, %and3A : vector<384x384xi1>
    %convert_element_type3A_64 = arith.extui %or3A : vector<384x384xi1> to vector<384x384xi32>
    %convert_element_type3A_65 = arith.sitofp %convert_element_type3A_64 : vector<384x384xi32> to vector<384x384xf32>
    %reduce_sum3A_66 = arith.constant dense<0.000000e+00> : vector<384xf32>
    %reduce_sum3A_67 = vector.multi_reduction <add>, %convert_element_type3A_65, %reduce_sum3A_66 [0] : vector<384x384xf32> to vector<384xf32>
    %broadcast_in_dim3A_68 = vector.shape_cast %reduce_sum3A_67 : vector<384xf32> to vector<1x384xf32>
    %lt3A_69 = arith.constant 1.920000e+02 : f32
    %lt3A_70 = vector.broadcast %lt3A_69 : f32 to vector<1x384xf32>
    %lt3A_71 = arith.cmpf olt, %broadcast_in_dim3A_68, %lt3A_70 : vector<1x384xf32>
    %convert_element_type3A_72 = arith.extui %lt3A_71 : vector<1x384xi1> to vector<1x384xi32>
    %convert_element_type3A_73 = arith.sitofp %convert_element_type3A_72 : vector<1x384xi32> to vector<1x384xf32>
    %dot_general3A_74 = arith.constant dense<0.000000e+00> : vector<1x384xf32>
    %dot_general3A_75 = tpu.matmul %convert_element_type3A_73, %convert_element_type3A_50, %dot_general3A_74 {dimension_numbers = #tpu.dot_dimension_numbers<[1], [0], [0], [1], [0, 0, 1, 1], [], []>, precision = #tpu.contract_precision<fp32>, transpose_lhs_hint = false} : vector<1x384xf32>, vector<384x384xf32>, vector<1x384xf32> -> vector<1x384xf32>
    %dot_general3A_76 = arith.constant dense<0.000000e+00> : vector<384x1xf32>
    %dot_general3A_77 = tpu.matmul %convert_element_type3A_48, %dot_general3A_75, %dot_general3A_76 {dimension_numbers = #tpu.dot_dimension_numbers<[1], [1], [0], [0], [0, 0, 1, 0], [], []>, precision = #tpu.contract_precision<fp32>, transpose_lhs_hint = false} : vector<384x384xf32>, vector<1x384xf32>, vector<384x1xf32> -> vector<384x1xf32>
    %dot_general3A_78 = arith.constant dense<0.000000e+00> : vector<384x1xf32>
    %dot_general3A_79 = tpu.matmul %convert_element_type3A_48, %convert_element_type3A_73, %dot_general3A_78 {dimension_numbers = #tpu.dot_dimension_numbers<[1], [1], [0], [0], [0, 0, 1, 0], [], []>, precision = #tpu.contract_precision<fp32>, transpose_lhs_hint = false} : vector<384x384xf32>, vector<1x384xf32>, vector<384x1xf32> -> vector<384x1xf32>
    %eq3A_80 = vector.broadcast %dot_general3A_77 : vector<384x1xf32> to vector<384x192xf32>
    %eq3A_81 = arith.cmpf oeq, %eq3A_80, %convert_element_type3A_56 : vector<384x192xf32>
    %gt3A_82 = arith.constant 5.000000e-01 : f32
    %gt3A_83 = vector.broadcast %gt3A_82 : f32 to vector<384x1xf32>
    %gt3A_84 = arith.cmpf ogt, %dot_general3A_79, %gt3A_83 : vector<384x1xf32>
    %and3A_85 = vector.broadcast %gt3A_84 : vector<384x1xi1> to vector<384x192xi1>
    %and3A_86 = arith.andi %eq3A_81, %and3A_85 : vector<384x192xi1>
    %jit3A = arith.constant 1.000000e+00 : f32
    %jit3A_87 = arith.constant 0.000000e+00 : f32
    %broadcast_in_dim3A_88 = vector.broadcast %jit3A : f32 to vector<384x192xf32>
    %broadcast_in_dim3A_89 = vector.broadcast %jit3A_87 : f32 to vector<384x192xf32>
    %select_n3A = arith.select %and3A_86, %broadcast_in_dim3A_88, %broadcast_in_dim3A_89 : vector<384x192xi1>, vector<384x192xf32>
    %dot_general3A_90 = arith.constant dense<0.000000e+00> : vector<1x192xf32>
    %dot_general3A_91 = tpu.matmul %convert_element_type3A_54, %select_n3A, %dot_general3A_90 {dimension_numbers = #tpu.dot_dimension_numbers<[1], [0], [0], [1], [0, 0, 1, 1], [], []>, precision = #tpu.contract_precision<fp32>, transpose_lhs_hint = false} : vector<1x384xf32>, vector<384x192xf32>, vector<1x192xf32> -> vector<1x192xf32>
    %convert_element_type3A_92 = arith.fptosi %dot_general3A_91 : vector<1x192xf32> to vector<1x192xi32>
    %swap3A = arith.constant 0 : index
    %swap3A_93 = arith.constant 0 : index
    %swap3A_94 = vector.load %arg7[%swap3A, %swap3A_93] : memref<8x192xi32, #tpu.memory_space<vmem>>, vector<1x192xi32>
    tpu.vector_store %arg7[%swap3A, %swap3A_93], %convert_element_type3A_92 {strides = array<i32>} : memref<8x192xi32, #tpu.memory_space<vmem>>, vector<1x192xi32>,
    %slice3A_95 = vector.extract_strided_slice %add3A_46 {offsets = [1, 0], sizes = [1, 384], strides = [1, 1]} : vector<8x384xf32> to vector<1x384xf32>
    %slice3A_96 = vector.extract_strided_slice %dot_general3A_52 {offsets = [0, 1], sizes = [384, 1], strides = [1, 1]} : vector<384x8xf32> to vector<384x1xf32>
    %gt3A_97 = vector.broadcast %slice3A_96 : vector<384x1xf32> to vector<384x384xf32>
    %gt3A_98 = vector.broadcast %slice3A_95 : vector<1x384xf32> to vector<384x384xf32>
    %gt3A_99 = arith.cmpf ogt, %gt3A_97, %gt3A_98 : vector<384x384xf32>
    %eq3A_100 = vector.broadcast %slice3A_96 : vector<384x1xf32> to vector<384x384xf32>
    %eq3A_101 = vector.broadcast %slice3A_95 : vector<1x384xf32> to vector<384x384xf32>
    %eq3A_102 = arith.cmpf oeq, %eq3A_100, %eq3A_101 : vector<384x384xf32>
    %lt3A_103 = arith.cmpi slt, %iota3A_47, %iota3A : vector<384x384xi32>
    %and3A_104 = arith.andi %eq3A_102, %lt3A_103 : vector<384x384xi1>
    %or3A_105 = arith.ori %gt3A_99, %and3A_104 : vector<384x384xi1>
    %convert_element_type3A_106 = arith.extui %or3A_105 : vector<384x384xi1> to vector<384x384xi32>
    %convert_element_type3A_107 = arith.sitofp %convert_element_type3A_106 : vector<384x384xi32> to vector<384x384xf32>
    %reduce_sum3A_108 = arith.constant dense<0.000000e+00> : vector<384xf32>
    %reduce_sum3A_109 = vector.multi_reduction <add>, %convert_element_type3A_107, %reduce_sum3A_108 [0] : vector<384x384xf32> to vector<384xf32>
    %broadcast_in_dim3A_110 = vector.shape_cast %reduce_sum3A_109 : vector<384xf32> to vector<1x384xf32>
    %lt3A_111 = arith.constant 1.920000e+02 : f32
    %lt3A_112 = vector.broadcast %lt3A_111 : f32 to vector<1x384xf32>
    %lt3A_113 = arith.cmpf olt, %broadcast_in_dim3A_110, %lt3A_112 : vector<1x384xf32>
    %convert_element_type3A_114 = arith.extui %lt3A_113 : vector<1x384xi1> to vector<1x384xi32>
    %convert_element_type3A_115 = arith.sitofp %convert_element_type3A_114 : vector<1x384xi32> to vector<1x384xf32>
    %dot_general3A_116 = arith.constant dense<0.000000e+00> : vector<1x384xf32>
    %dot_general3A_117 = tpu.matmul %convert_element_type3A_115, %convert_element_type3A_50, %dot_general3A_116 {dimension_numbers = #tpu.dot_dimension_numbers<[1], [0], [0], [1], [0, 0, 1, 1], [], []>, precision = #tpu.contract_precision<fp32>, transpose_lhs_hint = false} : vector<1x384xf32>, vector<384x384xf32>, vector<1x384xf32> -> vector<1x384xf32>
    %dot_general3A_118 = arith.constant dense<0.000000e+00> : vector<384x1xf32>
    %dot_general3A_119 = tpu.matmul %convert_element_type3A_48, %dot_general3A_117, %dot_general3A_118 {dimension_numbers = #tpu.dot_dimension_numbers<[1], [1], [0], [0], [0, 0, 1, 0], [], []>, precision = #tpu.contract_precision<fp32>, transpose_lhs_hint = false} : vector<384x384xf32>, vector<1x384xf32>, vector<384x1xf32> -> vector<384x1xf32>
    %dot_general3A_120 = arith.constant dense<0.000000e+00> : vector<384x1xf32>
    %dot_general3A_121 = tpu.matmul %convert_element_type3A_48, %convert_element_type3A_115, %dot_general3A_120 {dimension_numbers = #tpu.dot_dimension_numbers<[1], [1], [0], [0], [0, 0, 1, 0], [], []>, precision = #tpu.contract_precision<fp32>, transpose_lhs_hint = false} : vector<384x384xf32>, vector<1x384xf32>, vector<384x1xf32> -> vector<384x1xf32>
    %eq3A_122 = vector.broadcast %dot_general3A_119 : vector<384x1xf32> to vector<384x192xf32>
    %eq3A_123 = arith.cmpf oeq, %eq3A_122, %convert_element_type3A_56 : vector<384x192xf32>
    %gt3A_124 = arith.constant 5.000000e-01 : f32
    %gt3A_125 = vector.broadcast %gt3A_124 : f32 to vector<384x1xf32>
    %gt3A_126 = arith.cmpf ogt, %dot_general3A_121, %gt3A_125 : vector<384x1xf32>
    %and3A_127 = vector.broadcast %gt3A_126 : vector<384x1xi1> to vector<384x192xi1>
    %and3A_128 = arith.andi %eq3A_123, %and3A_127 : vector<384x192xi1>
    %jit3A_129 = arith.constant 1.000000e+00 : f32
    %jit3A_130 = arith.constant 0.000000e+00 : f32
    %broadcast_in_dim3A_131 = vector.broadcast %jit3A_129 : f32 to vector<384x192xf32>
    %broadcast_in_dim3A_132 = vector.broadcast %jit3A_130 : f32 to vector<384x192xf32>
    %select_n3A_133 = arith.select %and3A_128, %broadcast_in_dim3A_131, %broadcast_in_dim3A_132 : vector<384x192xi1>, vector<384x192xf32>
    %dot_general3A_134 = arith.constant dense<0.000000e+00> : vector<1x192xf32>
    %dot_general3A_135 = tpu.matmul %convert_element_type3A_54, %select_n3A_133, %dot_general3A_134 {dimension_numbers = #tpu.dot_dimension_numbers<[1], [0], [0], [1], [0, 0, 1, 1], [], []>, precision = #tpu.contract_precision<fp32>, transpose_lhs_hint = false} : vector<1x384xf32>, vector<384x192xf32>, vector<1x192xf32> -> vector<1x192xf32>
    %convert_element_type3A_136 = arith.fptosi %dot_general3A_135 : vector<1x192xf32> to vector<1x192xi32>
    %swap3A_137 = arith.constant 1 : index
    %swap3A_138 = arith.constant 0 : index
    %swap3A_139 = vector.load %arg7[%swap3A_137, %swap3A_138] : memref<8x192xi32, #tpu.memory_space<vmem>>, vector<1x192xi32>
    tpu.vector_store %arg7[%swap3A_137, %swap3A_138], %convert_element_type3A_136 {strides = array<i32>} : memref<8x192xi32, #tpu.memory_space<vmem>>, vector<1x192xi32>,
    %slice3A_140 = vector.extract_strided_slice %add3A_46 {offsets = [2, 0], sizes = [1, 384], strides = [1, 1]} : vector<8x384xf32> to vector<1x384xf32>
    %slice3A_141 = vector.extract_strided_slice %dot_general3A_52 {offsets = [0, 2], sizes = [384, 1], strides = [1, 1]} : vector<384x8xf32> to vector<384x1xf32>
    %gt3A_142 = vector.broadcast %slice3A_141 : vector<384x1xf32> to vector<384x384xf32>
    %gt3A_143 = vector.broadcast %slice3A_140 : vector<1x384xf32> to vector<384x384xf32>
    %gt3A_144 = arith.cmpf ogt, %gt3A_142, %gt3A_143 : vector<384x384xf32>
    %eq3A_145 = vector.broadcast %slice3A_141 : vector<384x1xf32> to vector<384x384xf32>
    %eq3A_146 = vector.broadcast %slice3A_140 : vector<1x384xf32> to vector<384x384xf32>
    %eq3A_147 = arith.cmpf oeq, %eq3A_145, %eq3A_146 : vector<384x384xf32>
    %lt3A_148 = arith.cmpi slt, %iota3A_47, %iota3A : vector<384x384xi32>
    %and3A_149 = arith.andi %eq3A_147, %lt3A_148 : vector<384x384xi1>
    %or3A_150 = arith.ori %gt3A_144, %and3A_149 : vector<384x384xi1>
    %convert_element_type3A_151 = arith.extui %or3A_150 : vector<384x384xi1> to vector<384x384xi32>
    %convert_element_type3A_152 = arith.sitofp %convert_element_type3A_151 : vector<384x384xi32> to vector<384x384xf32>
    %reduce_sum3A_153 = arith.constant dense<0.000000e+00> : vector<384xf32>
    %reduce_sum3A_154 = vector.multi_reduction <add>, %convert_element_type3A_152, %reduce_sum3A_153 [0] : vector<384x384xf32> to vector<384xf32>
    %broadcast_in_dim3A_155 = vector.shape_cast %reduce_sum3A_154 : vector<384xf32> to vector<1x384xf32>
    %lt3A_156 = arith.constant 1.920000e+02 : f32
    %lt3A_157 = vector.broadcast %lt3A_156 : f32 to vector<1x384xf32>
    %lt3A_158 = arith.cmpf olt, %broadcast_in_dim3A_155, %lt3A_157 : vector<1x384xf32>
    %convert_element_type3A_159 = arith.extui %lt3A_158 : vector<1x384xi1> to vector<1x384xi32>
    %convert_element_type3A_160 = arith.sitofp %convert_element_type3A_159 : vector<1x384xi32> to vector<1x384xf32>
    %dot_general3A_161 = arith.constant dense<0.000000e+00> : vector<1x384xf32>
    %dot_general3A_162 = tpu.matmul %convert_element_type3A_160, %convert_element_type3A_50, %dot_general3A_161 {dimension_numbers = #tpu.dot_dimension_numbers<[1], [0], [0], [1], [0, 0, 1, 1], [], []>, precision = #tpu.contract_precision<fp32>, transpose_lhs_hint = false} : vector<1x384xf32>, vector<384x384xf32>, vector<1x384xf32> -> vector<1x384xf32>
    %dot_general3A_163 = arith.constant dense<0.000000e+00> : vector<384x1xf32>
    %dot_general3A_164 = tpu.matmul %convert_element_type3A_48, %dot_general3A_162, %dot_general3A_163 {dimension_numbers = #tpu.dot_dimension_numbers<[1], [1], [0], [0], [0, 0, 1, 0], [], []>, precision = #tpu.contract_precision<fp32>, transpose_lhs_hint = false} : vector<384x384xf32>, vector<1x384xf32>, vector<384x1xf32> -> vector<384x1xf32>
    %dot_general3A_165 = arith.constant dense<0.000000e+00> : vector<384x1xf32>
    %dot_general3A_166 = tpu.matmul %convert_element_type3A_48, %convert_element_type3A_160, %dot_general3A_165 {dimension_numbers = #tpu.dot_dimension_numbers<[1], [1], [0], [0], [0, 0, 1, 0], [], []>, precision = #tpu.contract_precision<fp32>, transpose_lhs_hint = false} : vector<384x384xf32>, vector<1x384xf32>, vector<384x1xf32> -> vector<384x1xf32>
    %eq3A_167 = vector.broadcast %dot_general3A_164 : vector<384x1xf32> to vector<384x192xf32>
    %eq3A_168 = arith.cmpf oeq, %eq3A_167, %convert_element_type3A_56 : vector<384x192xf32>
    %gt3A_169 = arith.constant 5.000000e-01 : f32
    %gt3A_170 = vector.broadcast %gt3A_169 : f32 to vector<384x1xf32>
    %gt3A_171 = arith.cmpf ogt, %dot_general3A_166, %gt3A_170 : vector<384x1xf32>
    %and3A_172 = vector.broadcast %gt3A_171 : vector<384x1xi1> to vector<384x192xi1>
    %and3A_173 = arith.andi %eq3A_168, %and3A_172 : vector<384x192xi1>
    %jit3A_174 = arith.constant 1.000000e+00 : f32
    %jit3A_175 = arith.constant 0.000000e+00 : f32
    %broadcast_in_dim3A_176 = vector.broadcast %jit3A_174 : f32 to vector<384x192xf32>
    %broadcast_in_dim3A_177 = vector.broadcast %jit3A_175 : f32 to vector<384x192xf32>
    %select_n3A_178 = arith.select %and3A_173, %broadcast_in_dim3A_176, %broadcast_in_dim3A_177 : vector<384x192xi1>, vector<384x192xf32>
    %dot_general3A_179 = arith.constant dense<0.000000e+00> : vector<1x192xf32>
    %dot_general3A_180 = tpu.matmul %convert_element_type3A_54, %select_n3A_178, %dot_general3A_179 {dimension_numbers = #tpu.dot_dimension_numbers<[1], [0], [0], [1], [0, 0, 1, 1], [], []>, precision = #tpu.contract_precision<fp32>, transpose_lhs_hint = false} : vector<1x384xf32>, vector<384x192xf32>, vector<1x192xf32> -> vector<1x192xf32>
    %convert_element_type3A_181 = arith.fptosi %dot_general3A_180 : vector<1x192xf32> to vector<1x192xi32>
    %swap3A_182 = arith.constant 2 : index
    %swap3A_183 = arith.constant 0 : index
    %swap3A_184 = vector.load %arg7[%swap3A_182, %swap3A_183] : memref<8x192xi32, #tpu.memory_space<vmem>>, vector<1x192xi32>
    tpu.vector_store %arg7[%swap3A_182, %swap3A_183], %convert_element_type3A_181 {strides = array<i32>} : memref<8x192xi32, #tpu.memory_space<vmem>>, vector<1x192xi32>,
    %slice3A_185 = vector.extract_strided_slice %add3A_46 {offsets = [3, 0], sizes = [1, 384], strides = [1, 1]} : vector<8x384xf32> to vector<1x384xf32>
    %slice3A_186 = vector.extract_strided_slice %dot_general3A_52 {offsets = [0, 3], sizes = [384, 1], strides = [1, 1]} : vector<384x8xf32> to vector<384x1xf32>
    %gt3A_187 = vector.broadcast %slice3A_186 : vector<384x1xf32> to vector<384x384xf32>
    %gt3A_188 = vector.broadcast %slice3A_185 : vector<1x384xf32> to vector<384x384xf32>
    %gt3A_189 = arith.cmpf ogt, %gt3A_187, %gt3A_188 : vector<384x384xf32>
    %eq3A_190 = vector.broadcast %slice3A_186 : vector<384x1xf32> to vector<384x384xf32>
    %eq3A_191 = vector.broadcast %slice3A_185 : vector<1x384xf32> to vector<384x384xf32>
    %eq3A_192 = arith.cmpf oeq, %eq3A_190, %eq3A_191 : vector<384x384xf32>
    %lt3A_193 = arith.cmpi slt, %iota3A_47, %iota3A : vector<384x384xi32>
    %and3A_194 = arith.andi %eq3A_192, %lt3A_193 : vector<384x384xi1>
    %or3A_195 = arith.ori %gt3A_189, %and3A_194 : vector<384x384xi1>
    %convert_element_type3A_196 = arith.extui %or3A_195 : vector<384x384xi1> to vector<384x384xi32>
    %convert_element_type3A_197 = arith.sitofp %convert_element_type3A_196 : vector<384x384xi32> to vector<384x384xf32>
    %reduce_sum3A_198 = arith.constant dense<0.000000e+00> : vector<384xf32>
    %reduce_sum3A_199 = vector.multi_reduction <add>, %convert_element_type3A_197, %reduce_sum3A_198 [0] : vector<384x384xf32> to vector<384xf32>
    %broadcast_in_dim3A_200 = vector.shape_cast %reduce_sum3A_199 : vector<384xf32> to vector<1x384xf32>
    %lt3A_201 = arith.constant 1.920000e+02 : f32
    %lt3A_202 = vector.broadcast %lt3A_201 : f32 to vector<1x384xf32>
    %lt3A_203 = arith.cmpf olt, %broadcast_in_dim3A_200, %lt3A_202 : vector<1x384xf32>
    %convert_element_type3A_204 = arith.extui %lt3A_203 : vector<1x384xi1> to vector<1x384xi32>
    %convert_element_type3A_205 = arith.sitofp %convert_element_type3A_204 : vector<1x384xi32> to vector<1x384xf32>
    %dot_general3A_206 = arith.constant dense<0.000000e+00> : vector<1x384xf32>
    %dot_general3A_207 = tpu.matmul %convert_element_type3A_205, %convert_element_type3A_50, %dot_general3A_206 {dimension_numbers = #tpu.dot_dimension_numbers<[1], [0], [0], [1], [0, 0, 1, 1], [], []>, precision = #tpu.contract_precision<fp32>, transpose_lhs_hint = false} : vector<1x384xf32>, vector<384x384xf32>, vector<1x384xf32> -> vector<1x384xf32>
    %dot_general3A_208 = arith.constant dense<0.000000e+00> : vector<384x1xf32>
    %dot_general3A_209 = tpu.matmul %convert_element_type3A_48, %dot_general3A_207, %dot_general3A_208 {dimension_numbers = #tpu.dot_dimension_numbers<[1], [1], [0], [0], [0, 0, 1, 0], [], []>, precision = #tpu.contract_precision<fp32>, transpose_lhs_hint = false} : vector<384x384xf32>, vector<1x384xf32>, vector<384x1xf32> -> vector<384x1xf32>
    %dot_general3A_210 = arith.constant dense<0.000000e+00> : vector<384x1xf32>
    %dot_general3A_211 = tpu.matmul %convert_element_type3A_48, %convert_element_type3A_205, %dot_general3A_210 {dimension_numbers = #tpu.dot_dimension_numbers<[1], [1], [0], [0], [0, 0, 1, 0], [], []>, precision = #tpu.contract_precision<fp32>, transpose_lhs_hint = false} : vector<384x384xf32>, vector<1x384xf32>, vector<384x1xf32> -> vector<384x1xf32>
    %eq3A_212 = vector.broadcast %dot_general3A_209 : vector<384x1xf32> to vector<384x192xf32>
    %eq3A_213 = arith.cmpf oeq, %eq3A_212, %convert_element_type3A_56 : vector<384x192xf32>
    %gt3A_214 = arith.constant 5.000000e-01 : f32
    %gt3A_215 = vector.broadcast %gt3A_214 : f32 to vector<384x1xf32>
    %gt3A_216 = arith.cmpf ogt, %dot_general3A_211, %gt3A_215 : vector<384x1xf32>
    %and3A_217 = vector.broadcast %gt3A_216 : vector<384x1xi1> to vector<384x192xi1>
    %and3A_218 = arith.andi %eq3A_213, %and3A_217 : vector<384x192xi1>
    %jit3A_219 = arith.constant 1.000000e+00 : f32
    %jit3A_220 = arith.constant 0.000000e+00 : f32
    %broadcast_in_dim3A_221 = vector.broadcast %jit3A_219 : f32 to vector<384x192xf32>
    %broadcast_in_dim3A_222 = vector.broadcast %jit3A_220 : f32 to vector<384x192xf32>
    %select_n3A_223 = arith.select %and3A_218, %broadcast_in_dim3A_221, %broadcast_in_dim3A_222 : vector<384x192xi1>, vector<384x192xf32>
    %dot_general3A_224 = arith.constant dense<0.000000e+00> : vector<1x192xf32>
    %dot_general3A_225 = tpu.matmul %convert_element_type3A_54, %select_n3A_223, %dot_general3A_224 {dimension_numbers = #tpu.dot_dimension_numbers<[1], [0], [0], [1], [0, 0, 1, 1], [], []>, precision = #tpu.contract_precision<fp32>, transpose_lhs_hint = false} : vector<1x384xf32>, vector<384x192xf32>, vector<1x192xf32> -> vector<1x192xf32>
    %convert_element_type3A_226 = arith.fptosi %dot_general3A_225 : vector<1x192xf32> to vector<1x192xi32>
    %swap3A_227 = arith.constant 3 : index
    %swap3A_228 = arith.constant 0 : index
    %swap3A_229 = vector.load %arg7[%swap3A_227, %swap3A_228] : memref<8x192xi32, #tpu.memory_space<vmem>>, vector<1x192xi32>
    tpu.vector_store %arg7[%swap3A_227, %swap3A_228], %convert_element_type3A_226 {strides = array<i32>} : memref<8x192xi32, #tpu.memory_space<vmem>>, vector<1x192xi32>,
    %slice3A_230 = vector.extract_strided_slice %add3A_46 {offsets = [4, 0], sizes = [1, 384], strides = [1, 1]} : vector<8x384xf32> to vector<1x384xf32>
    %slice3A_231 = vector.extract_strided_slice %dot_general3A_52 {offsets = [0, 4], sizes = [384, 1], strides = [1, 1]} : vector<384x8xf32> to vector<384x1xf32>
    %gt3A_232 = vector.broadcast %slice3A_231 : vector<384x1xf32> to vector<384x384xf32>
    %gt3A_233 = vector.broadcast %slice3A_230 : vector<1x384xf32> to vector<384x384xf32>
    %gt3A_234 = arith.cmpf ogt, %gt3A_232, %gt3A_233 : vector<384x384xf32>
    %eq3A_235 = vector.broadcast %slice3A_231 : vector<384x1xf32> to vector<384x384xf32>
    %eq3A_236 = vector.broadcast %slice3A_230 : vector<1x384xf32> to vector<384x384xf32>
    %eq3A_237 = arith.cmpf oeq, %eq3A_235, %eq3A_236 : vector<384x384xf32>
    %lt3A_238 = arith.cmpi slt, %iota3A_47, %iota3A : vector<384x384xi32>
    %and3A_239 = arith.andi %eq3A_237, %lt3A_238 : vector<384x384xi1>
    %or3A_240 = arith.ori %gt3A_234, %and3A_239 : vector<384x384xi1>
    %convert_element_type3A_241 = arith.extui %or3A_240 : vector<384x384xi1> to vector<384x384xi32>
    %convert_element_type3A_242 = arith.sitofp %convert_element_type3A_241 : vector<384x384xi32> to vector<384x384xf32>
    %reduce_sum3A_243 = arith.constant dense<0.000000e+00> : vector<384xf32>
    %reduce_sum3A_244 = vector.multi_reduction <add>, %convert_element_type3A_242, %reduce_sum3A_243 [0] : vector<384x384xf32> to vector<384xf32>
    %broadcast_in_dim3A_245 = vector.shape_cast %reduce_sum3A_244 : vector<384xf32> to vector<1x384xf32>
    %lt3A_246 = arith.constant 1.920000e+02 : f32
    %lt3A_247 = vector.broadcast %lt3A_246 : f32 to vector<1x384xf32>
    %lt3A_248 = arith.cmpf olt, %broadcast_in_dim3A_245, %lt3A_247 : vector<1x384xf32>
    %convert_element_type3A_249 = arith.extui %lt3A_248 : vector<1x384xi1> to vector<1x384xi32>
    %convert_element_type3A_250 = arith.sitofp %convert_element_type3A_249 : vector<1x384xi32> to vector<1x384xf32>
    %dot_general3A_251 = arith.constant dense<0.000000e+00> : vector<1x384xf32>
    %dot_general3A_252 = tpu.matmul %convert_element_type3A_250, %convert_element_type3A_50, %dot_general3A_251 {dimension_numbers = #tpu.dot_dimension_numbers<[1], [0], [0], [1], [0, 0, 1, 1], [], []>, precision = #tpu.contract_precision<fp32>, transpose_lhs_hint = false} : vector<1x384xf32>, vector<384x384xf32>, vector<1x384xf32> -> vector<1x384xf32>
    %dot_general3A_253 = arith.constant dense<0.000000e+00> : vector<384x1xf32>
    %dot_general3A_254 = tpu.matmul %convert_element_type3A_48, %dot_general3A_252, %dot_general3A_253 {dimension_numbers = #tpu.dot_dimension_numbers<[1], [1], [0], [0], [0, 0, 1, 0], [], []>, precision = #tpu.contract_precision<fp32>, transpose_lhs_hint = false} : vector<384x384xf32>, vector<1x384xf32>, vector<384x1xf32> -> vector<384x1xf32>
    %dot_general3A_255 = arith.constant dense<0.000000e+00> : vector<384x1xf32>
    %dot_general3A_256 = tpu.matmul %convert_element_type3A_48, %convert_element_type3A_250, %dot_general3A_255 {dimension_numbers = #tpu.dot_dimension_numbers<[1], [1], [0], [0], [0, 0, 1, 0], [], []>, precision = #tpu.contract_precision<fp32>, transpose_lhs_hint = false} : vector<384x384xf32>, vector<1x384xf32>, vector<384x1xf32> -> vector<384x1xf32>
    %eq3A_257 = vector.broadcast %dot_general3A_254 : vector<384x1xf32> to vector<384x192xf32>
    %eq3A_258 = arith.cmpf oeq, %eq3A_257, %convert_element_type3A_56 : vector<384x192xf32>
    %gt3A_259 = arith.constant 5.000000e-01 : f32
    %gt3A_260 = vector.broadcast %gt3A_259 : f32 to vector<384x1xf32>
    %gt3A_261 = arith.cmpf ogt, %dot_general3A_256, %gt3A_260 : vector<384x1xf32>
    %and3A_262 = vector.broadcast %gt3A_261 : vector<384x1xi1> to vector<384x192xi1>
    %and3A_263 = arith.andi %eq3A_258, %and3A_262 : vector<384x192xi1>
    %jit3A_264 = arith.constant 1.000000e+00 : f32
    %jit3A_265 = arith.constant 0.000000e+00 : f32
    %broadcast_in_dim3A_266 = vector.broadcast %jit3A_264 : f32 to vector<384x192xf32>
    %broadcast_in_dim3A_267 = vector.broadcast %jit3A_265 : f32 to vector<384x192xf32>
    %select_n3A_268 = arith.select %and3A_263, %broadcast_in_dim3A_266, %broadcast_in_dim3A_267 : vector<384x192xi1>, vector<384x192xf32>
    %dot_general3A_269 = arith.constant dense<0.000000e+00> : vector<1x192xf32>
    %dot_general3A_270 = tpu.matmul %convert_element_type3A_54, %select_n3A_268, %dot_general3A_269 {dimension_numbers = #tpu.dot_dimension_numbers<[1], [0], [0], [1], [0, 0, 1, 1], [], []>, precision = #tpu.contract_precision<fp32>, transpose_lhs_hint = false} : vector<1x384xf32>, vector<384x192xf32>, vector<1x192xf32> -> vector<1x192xf32>
    %convert_element_type3A_271 = arith.fptosi %dot_general3A_270 : vector<1x192xf32> to vector<1x192xi32>
    %swap3A_272 = arith.constant 4 : index
    %swap3A_273 = arith.constant 0 : index
    %swap3A_274 = vector.load %arg7[%swap3A_272, %swap3A_273] : memref<8x192xi32, #tpu.memory_space<vmem>>, vector<1x192xi32>
    tpu.vector_store %arg7[%swap3A_272, %swap3A_273], %convert_element_type3A_271 {strides = array<i32>} : memref<8x192xi32, #tpu.memory_space<vmem>>, vector<1x192xi32>,
    %slice3A_275 = vector.extract_strided_slice %add3A_46 {offsets = [5, 0], sizes = [1, 384], strides = [1, 1]} : vector<8x384xf32> to vector<1x384xf32>
    %slice3A_276 = vector.extract_strided_slice %dot_general3A_52 {offsets = [0, 5], sizes = [384, 1], strides = [1, 1]} : vector<384x8xf32> to vector<384x1xf32>
    %gt3A_277 = vector.broadcast %slice3A_276 : vector<384x1xf32> to vector<384x384xf32>
    %gt3A_278 = vector.broadcast %slice3A_275 : vector<1x384xf32> to vector<384x384xf32>
    %gt3A_279 = arith.cmpf ogt, %gt3A_277, %gt3A_278 : vector<384x384xf32>
    %eq3A_280 = vector.broadcast %slice3A_276 : vector<384x1xf32> to vector<384x384xf32>
    %eq3A_281 = vector.broadcast %slice3A_275 : vector<1x384xf32> to vector<384x384xf32>
    %eq3A_282 = arith.cmpf oeq, %eq3A_280, %eq3A_281 : vector<384x384xf32>
    %lt3A_283 = arith.cmpi slt, %iota3A_47, %iota3A : vector<384x384xi32>
    %and3A_284 = arith.andi %eq3A_282, %lt3A_283 : vector<384x384xi1>
    %or3A_285 = arith.ori %gt3A_279, %and3A_284 : vector<384x384xi1>
    %convert_element_type3A_286 = arith.extui %or3A_285 : vector<384x384xi1> to vector<384x384xi32>
    %convert_element_type3A_287 = arith.sitofp %convert_element_type3A_286 : vector<384x384xi32> to vector<384x384xf32>
    %reduce_sum3A_288 = arith.constant dense<0.000000e+00> : vector<384xf32>
    %reduce_sum3A_289 = vector.multi_reduction <add>, %convert_element_type3A_287, %reduce_sum3A_288 [0] : vector<384x384xf32> to vector<384xf32>
    %broadcast_in_dim3A_290 = vector.shape_cast %reduce_sum3A_289 : vector<384xf32> to vector<1x384xf32>
    %lt3A_291 = arith.constant 1.920000e+02 : f32
    %lt3A_292 = vector.broadcast %lt3A_291 : f32 to vector<1x384xf32>
    %lt3A_293 = arith.cmpf olt, %broadcast_in_dim3A_290, %lt3A_292 : vector<1x384xf32>
    %convert_element_type3A_294 = arith.extui %lt3A_293 : vector<1x384xi1> to vector<1x384xi32>
    %convert_element_type3A_295 = arith.sitofp %convert_element_type3A_294 : vector<1x384xi32> to vector<1x384xf32>
    %dot_general3A_296 = arith.constant dense<0.000000e+00> : vector<1x384xf32>
    %dot_general3A_297 = tpu.matmul %convert_element_type3A_295, %convert_element_type3A_50, %dot_general3A_296 {dimension_numbers = #tpu.dot_dimension_numbers<[1], [0], [0], [1], [0, 0, 1, 1], [], []>, precision = #tpu.contract_precision<fp32>, transpose_lhs_hint = false} : vector<1x384xf32>, vector<384x384xf32>, vector<1x384xf32> -> vector<1x384xf32>
    %dot_general3A_298 = arith.constant dense<0.000000e+00> : vector<384x1xf32>
    %dot_general3A_299 = tpu.matmul %convert_element_type3A_48, %dot_general3A_297, %dot_general3A_298 {dimension_numbers = #tpu.dot_dimension_numbers<[1], [1], [0], [0], [0, 0, 1, 0], [], []>, precision = #tpu.contract_precision<fp32>, transpose_lhs_hint = false} : vector<384x384xf32>, vector<1x384xf32>, vector<384x1xf32> -> vector<384x1xf32>
    %dot_general3A_300 = arith.constant dense<0.000000e+00> : vector<384x1xf32>
    %dot_general3A_301 = tpu.matmul %convert_element_type3A_48, %convert_element_type3A_295, %dot_general3A_300 {dimension_numbers = #tpu.dot_dimension_numbers<[1], [1], [0], [0], [0, 0, 1, 0], [], []>, precision = #tpu.contract_precision<fp32>, transpose_lhs_hint = false} : vector<384x384xf32>, vector<1x384xf32>, vector<384x1xf32> -> vector<384x1xf32>
    %eq3A_302 = vector.broadcast %dot_general3A_299 : vector<384x1xf32> to vector<384x192xf32>
    %eq3A_303 = arith.cmpf oeq, %eq3A_302, %convert_element_type3A_56 : vector<384x192xf32>
    %gt3A_304 = arith.constant 5.000000e-01 : f32
    %gt3A_305 = vector.broadcast %gt3A_304 : f32 to vector<384x1xf32>
    %gt3A_306 = arith.cmpf ogt, %dot_general3A_301, %gt3A_305 : vector<384x1xf32>
    %and3A_307 = vector.broadcast %gt3A_306 : vector<384x1xi1> to vector<384x192xi1>
    %and3A_308 = arith.andi %eq3A_303, %and3A_307 : vector<384x192xi1>
    %jit3A_309 = arith.constant 1.000000e+00 : f32
    %jit3A_310 = arith.constant 0.000000e+00 : f32
    %broadcast_in_dim3A_311 = vector.broadcast %jit3A_309 : f32 to vector<384x192xf32>
    %broadcast_in_dim3A_312 = vector.broadcast %jit3A_310 : f32 to vector<384x192xf32>
    %select_n3A_313 = arith.select %and3A_308, %broadcast_in_dim3A_311, %broadcast_in_dim3A_312 : vector<384x192xi1>, vector<384x192xf32>
    %dot_general3A_314 = arith.constant dense<0.000000e+00> : vector<1x192xf32>
    %dot_general3A_315 = tpu.matmul %convert_element_type3A_54, %select_n3A_313, %dot_general3A_314 {dimension_numbers = #tpu.dot_dimension_numbers<[1], [0], [0], [1], [0, 0, 1, 1], [], []>, precision = #tpu.contract_precision<fp32>, transpose_lhs_hint = false} : vector<1x384xf32>, vector<384x192xf32>, vector<1x192xf32> -> vector<1x192xf32>
    %convert_element_type3A_316 = arith.fptosi %dot_general3A_315 : vector<1x192xf32> to vector<1x192xi32>
    %swap3A_317 = arith.constant 5 : index
    %swap3A_318 = arith.constant 0 : index
    %swap3A_319 = vector.load %arg7[%swap3A_317, %swap3A_318] : memref<8x192xi32, #tpu.memory_space<vmem>>, vector<1x192xi32>
    tpu.vector_store %arg7[%swap3A_317, %swap3A_318], %convert_element_type3A_316 {strides = array<i32>} : memref<8x192xi32, #tpu.memory_space<vmem>>, vector<1x192xi32>,
    %slice3A_320 = vector.extract_strided_slice %add3A_46 {offsets = [6, 0], sizes = [1, 384], strides = [1, 1]} : vector<8x384xf32> to vector<1x384xf32>
    %slice3A_321 = vector.extract_strided_slice %dot_general3A_52 {offsets = [0, 6], sizes = [384, 1], strides = [1, 1]} : vector<384x8xf32> to vector<384x1xf32>
    %gt3A_322 = vector.broadcast %slice3A_321 : vector<384x1xf32> to vector<384x384xf32>
    %gt3A_323 = vector.broadcast %slice3A_320 : vector<1x384xf32> to vector<384x384xf32>
    %gt3A_324 = arith.cmpf ogt, %gt3A_322, %gt3A_323 : vector<384x384xf32>
    %eq3A_325 = vector.broadcast %slice3A_321 : vector<384x1xf32> to vector<384x384xf32>
    %eq3A_326 = vector.broadcast %slice3A_320 : vector<1x384xf32> to vector<384x384xf32>
    %eq3A_327 = arith.cmpf oeq, %eq3A_325, %eq3A_326 : vector<384x384xf32>
    %lt3A_328 = arith.cmpi slt, %iota3A_47, %iota3A : vector<384x384xi32>
    %and3A_329 = arith.andi %eq3A_327, %lt3A_328 : vector<384x384xi1>
    %or3A_330 = arith.ori %gt3A_324, %and3A_329 : vector<384x384xi1>
    %convert_element_type3A_331 = arith.extui %or3A_330 : vector<384x384xi1> to vector<384x384xi32>
    %convert_element_type3A_332 = arith.sitofp %convert_element_type3A_331 : vector<384x384xi32> to vector<384x384xf32>
    %reduce_sum3A_333 = arith.constant dense<0.000000e+00> : vector<384xf32>
    %reduce_sum3A_334 = vector.multi_reduction <add>, %convert_element_type3A_332, %reduce_sum3A_333 [0] : vector<384x384xf32> to vector<384xf32>
    %broadcast_in_dim3A_335 = vector.shape_cast %reduce_sum3A_334 : vector<384xf32> to vector<1x384xf32>
    %lt3A_336 = arith.constant 1.920000e+02 : f32
    %lt3A_337 = vector.broadcast %lt3A_336 : f32 to vector<1x384xf32>
    %lt3A_338 = arith.cmpf olt, %broadcast_in_dim3A_335, %lt3A_337 : vector<1x384xf32>
    %convert_element_type3A_339 = arith.extui %lt3A_338 : vector<1x384xi1> to vector<1x384xi32>
    %convert_element_type3A_340 = arith.sitofp %convert_element_type3A_339 : vector<1x384xi32> to vector<1x384xf32>
    %dot_general3A_341 = arith.constant dense<0.000000e+00> : vector<1x384xf32>
    %dot_general3A_342 = tpu.matmul %convert_element_type3A_340, %convert_element_type3A_50, %dot_general3A_341 {dimension_numbers = #tpu.dot_dimension_numbers<[1], [0], [0], [1], [0, 0, 1, 1], [], []>, precision = #tpu.contract_precision<fp32>, transpose_lhs_hint = false} : vector<1x384xf32>, vector<384x384xf32>, vector<1x384xf32> -> vector<1x384xf32>
    %dot_general3A_343 = arith.constant dense<0.000000e+00> : vector<384x1xf32>
    %dot_general3A_344 = tpu.matmul %convert_element_type3A_48, %dot_general3A_342, %dot_general3A_343 {dimension_numbers = #tpu.dot_dimension_numbers<[1], [1], [0], [0], [0, 0, 1, 0], [], []>, precision = #tpu.contract_precision<fp32>, transpose_lhs_hint = false} : vector<384x384xf32>, vector<1x384xf32>, vector<384x1xf32> -> vector<384x1xf32>
    %dot_general3A_345 = arith.constant dense<0.000000e+00> : vector<384x1xf32>
    %dot_general3A_346 = tpu.matmul %convert_element_type3A_48, %convert_element_type3A_340, %dot_general3A_345 {dimension_numbers = #tpu.dot_dimension_numbers<[1], [1], [0], [0], [0, 0, 1, 0], [], []>, precision = #tpu.contract_precision<fp32>, transpose_lhs_hint = false} : vector<384x384xf32>, vector<1x384xf32>, vector<384x1xf32> -> vector<384x1xf32>
    %eq3A_347 = vector.broadcast %dot_general3A_344 : vector<384x1xf32> to vector<384x192xf32>
    %eq3A_348 = arith.cmpf oeq, %eq3A_347, %convert_element_type3A_56 : vector<384x192xf32>
    %gt3A_349 = arith.constant 5.000000e-01 : f32
    %gt3A_350 = vector.broadcast %gt3A_349 : f32 to vector<384x1xf32>
    %gt3A_351 = arith.cmpf ogt, %dot_general3A_346, %gt3A_350 : vector<384x1xf32>
    %and3A_352 = vector.broadcast %gt3A_351 : vector<384x1xi1> to vector<384x192xi1>
    %and3A_353 = arith.andi %eq3A_348, %and3A_352 : vector<384x192xi1>
    %jit3A_354 = arith.constant 1.000000e+00 : f32
    %jit3A_355 = arith.constant 0.000000e+00 : f32
    %broadcast_in_dim3A_356 = vector.broadcast %jit3A_354 : f32 to vector<384x192xf32>
    %broadcast_in_dim3A_357 = vector.broadcast %jit3A_355 : f32 to vector<384x192xf32>
    %select_n3A_358 = arith.select %and3A_353, %broadcast_in_dim3A_356, %broadcast_in_dim3A_357 : vector<384x192xi1>, vector<384x192xf32>
    %dot_general3A_359 = arith.constant dense<0.000000e+00> : vector<1x192xf32>
    %dot_general3A_360 = tpu.matmul %convert_element_type3A_54, %select_n3A_358, %dot_general3A_359 {dimension_numbers = #tpu.dot_dimension_numbers<[1], [0], [0], [1], [0, 0, 1, 1], [], []>, precision = #tpu.contract_precision<fp32>, transpose_lhs_hint = false} : vector<1x384xf32>, vector<384x192xf32>, vector<1x192xf32> -> vector<1x192xf32>
    %convert_element_type3A_361 = arith.fptosi %dot_general3A_360 : vector<1x192xf32> to vector<1x192xi32>
    %swap3A_362 = arith.constant 6 : index
    %swap3A_363 = arith.constant 0 : index
    %swap3A_364 = vector.load %arg7[%swap3A_362, %swap3A_363] : memref<8x192xi32, #tpu.memory_space<vmem>>, vector<1x192xi32>
    tpu.vector_store %arg7[%swap3A_362, %swap3A_363], %convert_element_type3A_361 {strides = array<i32>} : memref<8x192xi32, #tpu.memory_space<vmem>>, vector<1x192xi32>,
    %slice3A_365 = vector.extract_strided_slice %add3A_46 {offsets = [7, 0], sizes = [1, 384], strides = [1, 1]} : vector<8x384xf32> to vector<1x384xf32>
    %slice3A_366 = vector.extract_strided_slice %dot_general3A_52 {offsets = [0, 7], sizes = [384, 1], strides = [1, 1]} : vector<384x8xf32> to vector<384x1xf32>
    %gt3A_367 = vector.broadcast %slice3A_366 : vector<384x1xf32> to vector<384x384xf32>
    %gt3A_368 = vector.broadcast %slice3A_365 : vector<1x384xf32> to vector<384x384xf32>
    %gt3A_369 = arith.cmpf ogt, %gt3A_367, %gt3A_368 : vector<384x384xf32>
    %eq3A_370 = vector.broadcast %slice3A_366 : vector<384x1xf32> to vector<384x384xf32>
    %eq3A_371 = vector.broadcast %slice3A_365 : vector<1x384xf32> to vector<384x384xf32>
    %eq3A_372 = arith.cmpf oeq, %eq3A_370, %eq3A_371 : vector<384x384xf32>
    %lt3A_373 = arith.cmpi slt, %iota3A_47, %iota3A : vector<384x384xi32>
    %and3A_374 = arith.andi %eq3A_372, %lt3A_373 : vector<384x384xi1>
    %or3A_375 = arith.ori %gt3A_369, %and3A_374 : vector<384x384xi1>
    %convert_element_type3A_376 = arith.extui %or3A_375 : vector<384x384xi1> to vector<384x384xi32>
    %convert_element_type3A_377 = arith.sitofp %convert_element_type3A_376 : vector<384x384xi32> to vector<384x384xf32>
    %reduce_sum3A_378 = arith.constant dense<0.000000e+00> : vector<384xf32>
    %reduce_sum3A_379 = vector.multi_reduction <add>, %convert_element_type3A_377, %reduce_sum3A_378 [0] : vector<384x384xf32> to vector<384xf32>
    %broadcast_in_dim3A_380 = vector.shape_cast %reduce_sum3A_379 : vector<384xf32> to vector<1x384xf32>
    %lt3A_381 = arith.constant 1.920000e+02 : f32
    %lt3A_382 = vector.broadcast %lt3A_381 : f32 to vector<1x384xf32>
    %lt3A_383 = arith.cmpf olt, %broadcast_in_dim3A_380, %lt3A_382 : vector<1x384xf32>
    %convert_element_type3A_384 = arith.extui %lt3A_383 : vector<1x384xi1> to vector<1x384xi32>
    %convert_element_type3A_385 = arith.sitofp %convert_element_type3A_384 : vector<1x384xi32> to vector<1x384xf32>
    %dot_general3A_386 = arith.constant dense<0.000000e+00> : vector<1x384xf32>
    %dot_general3A_387 = tpu.matmul %convert_element_type3A_385, %convert_element_type3A_50, %dot_general3A_386 {dimension_numbers = #tpu.dot_dimension_numbers<[1], [0], [0], [1], [0, 0, 1, 1], [], []>, precision = #tpu.contract_precision<fp32>, transpose_lhs_hint = false} : vector<1x384xf32>, vector<384x384xf32>, vector<1x384xf32> -> vector<1x384xf32>
    %dot_general3A_388 = arith.constant dense<0.000000e+00> : vector<384x1xf32>
    %dot_general3A_389 = tpu.matmul %convert_element_type3A_48, %dot_general3A_387, %dot_general3A_388 {dimension_numbers = #tpu.dot_dimension_numbers<[1], [1], [0], [0], [0, 0, 1, 0], [], []>, precision = #tpu.contract_precision<fp32>, transpose_lhs_hint = false} : vector<384x384xf32>, vector<1x384xf32>, vector<384x1xf32> -> vector<384x1xf32>
    %dot_general3A_390 = arith.constant dense<0.000000e+00> : vector<384x1xf32>
    %dot_general3A_391 = tpu.matmul %convert_element_type3A_48, %convert_element_type3A_385, %dot_general3A_390 {dimension_numbers = #tpu.dot_dimension_numbers<[1], [1], [0], [0], [0, 0, 1, 0], [], []>, precision = #tpu.contract_precision<fp32>, transpose_lhs_hint = false} : vector<384x384xf32>, vector<1x384xf32>, vector<384x1xf32> -> vector<384x1xf32>
    %eq3A_392 = vector.broadcast %dot_general3A_389 : vector<384x1xf32> to vector<384x192xf32>
    %eq3A_393 = arith.cmpf oeq, %eq3A_392, %convert_element_type3A_56 : vector<384x192xf32>
    %gt3A_394 = arith.constant 5.000000e-01 : f32
    %gt3A_395 = vector.broadcast %gt3A_394 : f32 to vector<384x1xf32>
    %gt3A_396 = arith.cmpf ogt, %dot_general3A_391, %gt3A_395 : vector<384x1xf32>
    %and3A_397 = vector.broadcast %gt3A_396 : vector<384x1xi1> to vector<384x192xi1>
    %and3A_398 = arith.andi %eq3A_393, %and3A_397 : vector<384x192xi1>
    %jit3A_399 = arith.constant 1.000000e+00 : f32
    %jit3A_400 = arith.constant 0.000000e+00 : f32
    %broadcast_in_dim3A_401 = vector.broadcast %jit3A_399 : f32 to vector<384x192xf32>
    %broadcast_in_dim3A_402 = vector.broadcast %jit3A_400 : f32 to vector<384x192xf32>
    %select_n3A_403 = arith.select %and3A_398, %broadcast_in_dim3A_401, %broadcast_in_dim3A_402 : vector<384x192xi1>, vector<384x192xf32>
    %dot_general3A_404 = arith.constant dense<0.000000e+00> : vector<1x192xf32>
    %dot_general3A_405 = tpu.matmul %convert_element_type3A_54, %select_n3A_403, %dot_general3A_404 {dimension_numbers = #tpu.dot_dimension_numbers<[1], [0], [0], [1], [0, 0, 1, 1], [], []>, precision = #tpu.contract_precision<fp32>, transpose_lhs_hint = false} : vector<1x384xf32>, vector<384x192xf32>, vector<1x192xf32> -> vector<1x192xf32>
    %convert_element_type3A_406 = arith.fptosi %dot_general3A_405 : vector<1x192xf32> to vector<1x192xi32>
    %swap3A_407 = arith.constant 7 : index
    %swap3A_408 = arith.constant 0 : index
    %swap3A_409 = vector.load %arg7[%swap3A_407, %swap3A_408] : memref<8x192xi32, #tpu.memory_space<vmem>>, vector<1x192xi32>
    tpu.vector_store %arg7[%swap3A_407, %swap3A_408], %convert_element_type3A_406 {strides = array<i32>} : memref<8x192xi32, #tpu.memory_space<vmem>>, vector<1x192xi32>,
    return
  }
}

</mosaic_0001>

<sc_bundles>
// kernel: kernel.5.cloned.1.call-start
scs
__scs_entry_jumppad:
0x0: {  	(pc) =	sbr.rel $0x88, $3  }
0x1: {  	(tag) =	ssettag $0x0;
	lr =	simm.s32 $0x1  }
0x2: {  	[smem:$0x3F9A] =	sst lr;
	_ =	strace $0xD0000000  }
0x3: {  	_ = 	snop  }
0x4: {  	_ = 	snop  }
0x5: {  	_ = 	snop  }
0x6: {  	_ = 	snop  }
0x7: {  	_ = 	snop  }
__scs_overlays_trampoline_lowered:
0x8: {  	[smem:$0x3FA9] =	sst s0  }
0x9: {  	[smem:$0x3FAA] =	sst s1  }
0xa: {  	[smem:$0x3FAB] =	sst s2  }
0xb: {  	[smem:$0x3FAC] =	sst s3  }
0xc: {  	[smem:$0x3FAD] =	sst s4  }
0xd: {  	[smem:$0x3FAE] =	sst s5  }
0xe: {  	[smem:$0x3FAF] =	sst s6  }
0xf: {  	[smem:$0x3FB0] =	sst s7  }
0x10: {  	[smem:$0x3FB1] =	sst s8  }
0x11: {  	[smem:$0x3FB2] =	sst s9;
	s0 =	simm.s32 @!p0 $0x0  }
0x12: {  	s1 =	sld [smem:$0x3F98];
	s0 =	simm.s32 @p0 $0x1  }
0x13: {  	[smem:$0x3FB3] =	sst s0;
	s0 =	simm.s32 @!p1 $0x0  }
0x14: {  	s2 =	sld [smem:$0x3F97];
	s0 =	simm.s32 @p1 $0x1  }
0x15: {  	[smem:$0x3FB4] =	sst s0;
	s0 =	simm.s32 @!p2 $0x0  }
0x16: {  	s3 =	sld [smem:$0x3FDB];
	s0 =	simm.s32 @p2 $0x1  }
0x17: {  	s4 =	simm.s32 $0x1BF5;
	[smem:$0x3FB6] =	sst s0  }
0x18: {  	s0 =	sld [smem:$0x3F99];
	_ =	swait.ge [sflag:s4], $0x0  }
0x19: {  	s7 =	sld [smem:$0x3F9A]  }
0x1a: {  	s8 =	sadd.s32 $0xFFFFE003, lr  }
0x1b: {  	s9 =	sadd.s32 $0xFFFFFEF7, lr;
	s5 =	simm.s32 $0xFFFFFFFF;
	p2 =	slt.u32 s8, $0xFFFFF086  }
0x1c: {  	p1 =	slt.u32 s9, $0xF7A;
	s5 =	simm.s32 @!p2 $0x0  }
0x1d: {  	s5 =	simm.s32 @p1 $0x1;
	p0 =	seq.s32 s7, s2  }
0x1e: {  	s7 =	smul.u32 @!p0 $0xF7A, s2;
	p2 =	seq.s32 @!p0 s5, $0x0  }
0x1f: {  	s9 =	smul.u32 $0xF7A, s1;
	s8 =	simm.s32 @!p0 $0x1BF5;
	p2 =	por !p2, p0  }
0x20: {  	[sflag:s8] =	ssyncset.s32 @!p0 $0xFFFFF086;
	s6 =	sadd.s32 @!p0 s3, s7;
	s7 =	simm.s32 @!p0 $0x108  }
0x21: {  	s3 =	sadd.s32 s3, s9;
	s6 =	sadd.s32 @!p0 $0x88, s6;
	s7 =	simm.s32 @p2 $0x1082  }
0x22: {  	[simem:s7], [sflag:s8] =	dma.local @!p0 [hbm:s6], $0xF7A  }
0x23: {  	s9 =	sor.u32 $0xD0000000, s2;
	s6 =	simm.s32 $0x108;
	_ =	swait.ge @!p0 [sflag:s8], $0x0  }
0x24: {  	s3 =	sadd.s32 $0x88, s3;
	s6 =	simm.s32 @!p1 $0x1082;
	[sflag:s4] =	ssyncset.s32 $0xFFFFF086  }
0x25: {  	[simem:s6], [sflag:s4] =	dma.local [hbm:s3], $0xF7A  }
0x26: {  	[smem:$0x3F9A] =	sst s1;
	(tag) =	ssettag s2;
	_ =	strace s9  }
0x27: {  	s1 =	sld [smem:$0x3FAA]  }
0x28: {  	s2 =	sld [smem:$0x3FAB]  }
0x29: {  	s4 =	sld [smem:$0x3FAD]  }
0x2a: {  	p0 =	seq.s32 s5, $0x0;
	s5 =	sld [smem:$0x3FAE]  }
0x2b: {  	s6 =	sld [smem:$0x3FAF]  }
0x2c: {  	s7 =	sld [smem:$0x3FB0]  }
0x2d: {  	s3 =	simm.s32 $0x108;
	s8 =	sld [smem:$0x3FB1]  }
0x2e: {  	s3 =	simm.s32 @!p0 $0x1082;
	s9 =	sld [smem:$0x3FB2]  }
0x2f: {  	lr =	sadd.s32 s0, s3;
	s0 =	sld [smem:$0x3FA9]  }
0x30: {  	s3 =	sld [smem:$0x3FAC]  }
0x31: {  	[smem:$0x3FB5] =	sst s10  }
0x32: {  	s10 =	sld [smem:$0x3FB3];
	_ =	sdelay $0x3  }
0x33: {  	p0 =	seq.s32 s10, $0x1;
	s10 =	sld [smem:$0x3FB5];
	_ =	sdelay $0x3  }
0x34: {  	[smem:$0x3FB5] =	sst s10  }
0x35: {  	s10 =	sld [smem:$0x3FB4];
	_ =	sdelay $0x3  }
0x36: {  	p1 =	seq.s32 s10, $0x1;
	s10 =	sld [smem:$0x3FB5];
	_ =	sdelay $0x3  }
0x37: {  	[smem:$0x3FB5] =	sst s10  }
0x38: {  	s10 =	sld [smem:$0x3FB6]  }
0x39: {  	_ = 	snop;
	(pc) =	sbr.ind lr, $3  }
0x3a: {  	_ = 	snop  }
0x3b: {  	_ = 	snop  }
0x3c: {  	p2 =	seq.s32 s10, $0x1;
	s10 =	sld [smem:$0x3FB5]  }
0x3d: {  	_ =	shalt  }
0x3e: {  	_ =	shalt  }
0x3f: {  	_ =	shalt  }
0x40: {  	_ =	shalt  }
0x41: {  	_ =	shalt  }
0x42: {  	_ =	shalt  }
0x43: {  	_ =	shalt  }
0x44: {  	_ =	shalt  }
0x45: {  	_ =	shalt  }
0x46: {  	_ =	shalt  }
0x47: {  	_ =	shalt  }
0x48: {  	_ =	shalt  }
0x49: {  	_ =	shalt  }
0x4a: {  	_ =	shalt  }
0x4b: {  	_ =	shalt  }
0x4c: {  	_ =	shalt  }
0x4d: {  	_ =	shalt  }
0x4e: {  	_ =	shalt  }
0x4f: {  	_ =	shalt  }
0x50: {  	_ =	shalt  }
0x51: {  	_ =	shalt  }
0x52: {  	_ =	shalt  }
0x53: {  	_ =	shalt  }
0x54: {  	_ =	shalt  }
0x55: {  	_ =	shalt  }
0x56: {  	_ =	shalt  }
0x57: {  	_ =	shalt  }
0x58: {  	_ =	shalt  }
0x59: {  	_ =	shalt  }
0x5a: {  	_ =	shalt  }
0x5b: {  	_ =	shalt  }
0x5c: {  	_ =	shalt  }
0x5d: {  	_ =	shalt  }
0x5e: {  	_ =	shalt  }
0x5f: {  	_ =	shalt  }
0x60: {  	_ =	shalt  }
0x61: {  	_ =	shalt  }
0x62: {  	_ =	shalt  }
0x63: {  	_ =	shalt  }
0x64: {  	_ =	shalt  }
0x65: {  	_ =	shalt  }
0x66: {  	_ =	shalt  }
0x67: {  	_ =	shalt  }
0x68: {  	_ =	shalt  }
0x69: {  	_ =	shalt  }
0x6a: {  	_ =	shalt  }
0x6b: {  	_ =	shalt  }
0x6c: {  	_ =	shalt  }
0x6d: {  	_ =	shalt  }
0x6e: {  	_ =	shalt  }
0x6f: {  	_ =	shalt  }
0x70: {  	_ =	shalt  }
0x71: {  	_ =	shalt  }
0x72: {  	_ =	shalt  }
0x73: {  	_ =	shalt  }
0x74: {  	_ =	shalt  }
0x75: {  	_ =	shalt  }
0x76: {  	_ =	shalt  }
0x77: {  	_ =	shalt  }
0x78: {  	_ =	shalt  }
0x79: {  	_ =	shalt  }
0x7a: {  	_ =	shalt  }
0x7b: {  	_ =	shalt  }
0x7c: {  	_ =	shalt  }
0x7d: {  	_ =	shalt  }
0x7e: {  	_ =	shalt  }
0x7f: {  	_ =	shalt  }
0x80: {  	_ =	shalt  }
0x81: {  	_ =	shalt  }
0x82: {  	_ =	shalt  }
0x83: {  	_ =	shalt  }
0x84: {  	_ =	shalt  }
0x85: {  	_ =	shalt  }
0x86: {  	_ =	shalt  }
0x87: {  	_ =	shalt  }
.Lfunc_end0:
.L_simem_size_0:
called_computation_lowered:
.L_overlay_start_0:
0x88: {  	s2 =	sld [smem:$0x3FD9]  }
0x89: {  	s3 =	sld [smem:$0x3FFE];
	_ =	sdelay $0x1  }
0x8a: {  	s1 =	srdreg.scid  }
0x8b: {  	s0 =	sand.u32 $0x1, s1  }
0x8c: {  	s17 =	sshll.u32 s0, $0xA;
	s2 =	sadd.s32 s3, s2  }
0x8d: {  	s2 =	sadd.s32 s2, s17  }
0x8e: {  	[smem:$0x3FC1] =	sst s2  }
0x8f: {  	_ = 	snop  }
0x90: {  	s2 =	sld [smem:$0x3FC9]  }
0x91: {  	s18 =	sld [smem:$0x3FD0];
	(tm) =	ssettm $0x1  }
0x92: {  	s4 =	sld [smem:$0x3FFB];
	_ =	sdelay $0x3  }
0x93: {  	_ =	strace s4  }
0x94: {  	s4 =	sld [smem:$0x3FFC];
	_ =	sdelay $0x3  }
0x95: {  	_ =	strace s4  }
0x96: {  	s4 =	sld [smem:$0x3FFD];
	_ =	sdelay $0x3  }
0x97: {  	_ =	strace s4  }
0x98: {  	_ =	strace $0x8FFFFFFF  }
0x99: {  	s19 =	sld [smem:$0x3FDB];
	_ =	sdelay $0x1  }
0x9a: {  	s5 =	simm.s32 $_scs_section_size  }
0x9b: {  	s6 =	simm.s32 $_size__tile_overlayer_lowered;
	s7 =	simm.s32 $_tile_overlayer_lowered  }
0x9c: {  	s22 =	simm.s32 $0x1BFF;
	s21 =	sshll.u32 s7, $0x1;
	s4 =	sadd.s32 s5, s19  }
0x9d: {  	s8 =	simm.s32 $0x0;
	s20 =	sshll.u32 s6, $0x1;
	s6 =	sadd.s32 s21, s4  }
0x9e: {  	[timem:s8], [sflag:s22] =	dma.local [hbm:s6], s20  }
0x9f: {  	_ =	swait.ge [sflag:s22], s20  }
0xa0: {  	s5 =	ssub.s32 $0x0, s20;
	[sflag:s22] =	ssyncset.done $0x0  }
0xa1: {  	[sflag:s22] =	ssyncadd.s32 s5;
	_ =	sdelay $0x1  }
0xa2: {  	s23 =	simm.s32 $0x1B8B  }
0xa3: {  	_ =	swait.ge [sflag:s23], $0x1  }
0xa4: {  	[sflag:s23] =	ssyncset.done $0x0  }
0xa5: {  	s25 =	simm.s32 $0x1B8E;
	s24 =	sld [smem:$0x3FFE];
	[sflag:s23] =	ssyncadd.s32 $0xFFFFFFFF  }
0xa6: {  	s26 =	simm.s32 $execute0_lowered;
	[smem:$0x3FD2] =	sst s25  }
0xa7: {  	s6 =	sshll.u32 s26, $0x1;
	_ =	strace $0x80000046;
	[dreg:$0x1] =	wrdreg $0xFFFFFFFF  }
0xa8: {  	s28 =	simm.s32 $_size_execute0_lowered;
	s4 =	sadd.s32 s4, s6;
	[dreg:$0x0] =	wrdreg $0x0  }
0xa9: {  	s6 =	sshll.u32 s28, $0x1;
	[dreg:$0x2] =	wrdreg s4  }
0xaa: {  	[dreg:$0x3] =	wrdreg s6  }
0xab: {  	[dreg:$0x4] =	wrdreg $0xC0  }
0xac: {  	_ =	task [dreg:s8], $0x5FFFF  }
0xad: {  	[dreg:$0x1] =	wrdreg $0xFFFFFFFF  }
0xae: {  	[dreg:$0x0] =	wrdreg $0x60  }
0xaf: {  	[dreg:$0x2] =	wrdreg s2  }
0xb0: {  	[dreg:$0x3] =	wrdreg s24  }
0xb1: {  	[dreg:$0x4] =	wrdreg s18  }
0xb2: {  	[dreg:$0x5] =	wrdreg $0x9  }
0xb3: {  	_ =	task.clear_ibuf [dreg:s8], $0x6FFFF;
	_ =	strace $0x90000046  }
0xb4: {  	s29 =	simm.s32 $0x9;
	_ =	strace $0x80000048  }
0xb5: {  	_ =	swait.ge [sflag:s29], $0x1  }
0xb6: {  	[sflag:s29] =	ssyncadd.s32 $0xFFFFFFFF  }
0xb7: {  	_ =	strace $0x90000048  }
0xb8: {  	_ =	sfence  }
0xb9: {  	s30 =	sld [smem:$0x0];
	_ =	sdelay $0x2  }
0xba: {  	s31 =	sshll.u32 s1, $0xD;
	s1 =	sshrl.u32 s1, $0x2  }
0xbb: {  	s3 =	sand.u32 $0x4000, s31;
	s1 =	sadd.s32 s1, s30  }
0xbc: {  	s0 =	sor.u32 s3, s0;
	s1 =	sshll.u32 s1, $0x11  }
0xbd: {  	s0 =	sor.u32 s1, s0  }
0xbe: {  	s0 =	sadd.s32 $0x8F2B, s0  }
0xbf: {  	[sflag:s0] =	ssyncadd.remote.s32 $0x1  }
0xc0: {  	_ =	sfence.sel $0xFFFF  }
0xc1: {  	[dreg:$0x0] =	wrdreg $0xFFFFFFFF;
	(pc) =	sbr.abs _section_cstart, $3  }
0xc2: {  	[dreg:$0x1] =	wrdreg $0xFFFFFFFF  }
0xc3: {  	_ =	task.clear_ibuf [dreg:s8], $0x2FFFF;
	_ =	strace $0x9FFFFFFF  }
0xc4: {  	(tm) =	ssettm $0x7FFFFFFF  }
0xc5: {  	_ =	shalt  }
tec
execute0_lowered:
.L_overlay_start_1:
0x0: {  	(tag) =	ssettag $0x1  }
0x1: {  	s1 =	rddreg [dreg:$0x0]  }
0x2: {  	s0 =	rddreg [dreg:$0x1]  }
0x3: {  	s2 =	rddreg [dreg:$0x2];
	s3 =	simm.s32 $0x0  }
0x4: {  	s4 =	simm.s32 $0xB00;
	[smem:$0x7FF] =	sst s3  }
0x5: {  	s17 =	simm.s32 $0xF00;
	_ =	strace $0x80000047;
	[dreg:$0x4] =	wrdreg s4  }
0x6: {  	s18 =	simm.s32 $0x1700;
	[dreg:$0x5] =	wrdreg s17  }
0x7: {  	s19 =	simm.s32 $0x1B00;
	[dreg:$0x6] =	wrdreg s18  }
0x8: {  	s20 =	simm.s32 $0x2300;
	[dreg:$0x7] =	wrdreg s19  }
0x9: {  	s21 =	simm.s32 $0x2700;
	[dreg:$0x8] =	wrdreg s20  }
0xa: {  	s22 =	simm.s32 $0x2F00;
	[dreg:$0x9] =	wrdreg s21  }
0xb: {  	s23 =	simm.s32 $0x3300;
	[dreg:$0xa] =	wrdreg s22  }
0xc: {  	s24 =	simm.s32 $0x3B00;
	[dreg:$0xb] =	wrdreg s23  }
0xd: {  	s25 =	simm.s32 $0x3F00;
	[dreg:$0xc] =	wrdreg s24  }
0xe: {  	s26 =	simm.s32 $0x4700;
	[dreg:$0xd] =	wrdreg s25  }
0xf: {  	s28 =	simm.s32 $0x4B00;
	[dreg:$0xe] =	wrdreg s26  }
0x10: {  	s29 =	simm.s32 $0x5300;
	[dreg:$0xf] =	wrdreg s28  }
0x11: {  	s30 =	simm.s32 $0x5700;
	[dreg:$0x10] =	wrdreg s29  }
0x12: {  	s31 =	simm.s32 $0x5F00;
	[dreg:$0x11] =	wrdreg s30  }
0x13: {  	s5 =	simm.s32 $0x6B00;
	[dreg:$0x12] =	wrdreg s31  }
0x14: {  	s6 =	simm.s32 $0x6F00;
	[dreg:$0x13] =	wrdreg s5  }
0x15: {  	s7 =	simm.s32 $0x7700;
	[dreg:$0x14] =	wrdreg s6  }
0x16: {  	s8 =	simm.s32 $0x7B00;
	[dreg:$0x15] =	wrdreg s7  }
0x17: {  	s9 =	simm.s32 $0x8300;
	[dreg:$0x16] =	wrdreg s8  }
0x18: {  	s10 =	simm.s32 $0x8700;
	[dreg:$0x17] =	wrdreg s9  }
0x19: {  	s11 =	simm.s32 $0x8F00;
	[dreg:$0x18] =	wrdreg s10  }
0x1a: {  	s12 =	simm.s32 $0x9300;
	[dreg:$0x19] =	wrdreg s11  }
0x1b: {  	s13 =	simm.s32 $0x9B00;
	[dreg:$0x1a] =	wrdreg s12  }
0x1c: {  	s14 =	simm.s32 $0x9F00;
	[dreg:$0x1b] =	wrdreg s13  }
0x1d: {  	s15 =	simm.s32 $0xA700;
	[dreg:$0x1c] =	wrdreg s14  }
0x1e: {  	s16 =	simm.s32 $0xAB00;
	[dreg:$0x1d] =	wrdreg s15  }
0x1f: {  	[dreg:$0x1e] =	wrdreg s16;
	s17 =	simm.s32 $0xB300  }
0x20: {  	s18 =	simm.s32 $0xB700;
	[dreg:$0x1f] =	wrdreg s17  }
0x21: {  	s19 =	simm.s32 $0xBF00;
	[smem:$0x7DE] =	sst s18  }
0x22: {  	s20 =	simm.s32 $0xCB00;
	[smem:$0x7DF] =	sst s19  }
0x23: {  	s5 =	simm.s32 $0xCF00;
	[smem:$0x7E0] =	sst s20  }
0x24: {  	s22 =	simm.s32 $0xD700;
	[smem:$0x7E1] =	sst s5  }
0x25: {  	s23 =	simm.s32 $0xDB00;
	[smem:$0x7E2] =	sst s22  }
0x26: {  	s24 =	simm.s32 $0xE300;
	[smem:$0x7E3] =	sst s23  }
0x27: {  	s25 =	simm.s32 $0xE700;
	[smem:$0x7E4] =	sst s24  }
0x28: {  	s28 =	simm.s32 $0xEF00;
	[smem:$0x7E5] =	sst s25  }
0x29: {  	s29 =	simm.s32 $0xF300;
	[smem:$0x7E6] =	sst s28  }
0x2a: {  	s30 =	simm.s32 $0xFB00;
	[smem:$0x7E7] =	sst s29  }
0x2b: {  	s31 =	simm.s32 $0xFF00;
	[smem:$0x7E8] =	sst s30  }
0x2c: {  	s10 =	simm.s32 $0x10B00;
	[smem:$0x7E9] =	sst s31  }
0x2d: {  	s11 =	simm.s32 $0x11300;
	[smem:$0x7EB] =	sst s10  }
0x2e: {  	s12 =	simm.s32 $0x11700;
	[smem:$0x7EC] =	sst s11  }
0x2f: {  	s14 =	simm.s32 $0x11F00;
	[smem:$0x7ED] =	sst s12  }
0x30: {  	s15 =	simm.s32 $0x12B00;
	[smem:$0x7EE] =	sst s14  }
0x31: {  	s16 =	simm.s32 $0x12F00;
	[smem:$0x7EF] =	sst s15  }
0x32: {  	s21 =	stileid.u32;
	[smem:$0x7F0] =	sst s16;
	s18 =	simm.s32 $0x13700  }
0x33: {  	s26 =	srdreg.scid;
	s19 =	simm.s32 $0x13B00;
	[smem:$0x7F1] =	sst s18  }
0x34: {  	s6 =	sshll.u32 s21, $0x3;
	s20 =	simm.s32 $0x14300;
	[smem:$0x7F2] =	sst s19  }
0x35: {  	s22 =	simm.s32 $0x14F00;
	s23 =	simm.s32 $0x15300;
	[smem:$0x7F3] =	sst s20  }
0x36: {  	s24 =	simm.s32 $0x15B00;
	s12 =	simm.s32 $0x9;
	[smem:$0x7F5] =	sst s22  }
0x37: {  	s25 =	simm.s32 $0x15F00;
	s14 =	simm.s32 $0x1;
	[smem:$0x7F6] =	sst s23  }
0x38: {  	s28 =	simm.s32 $0x16B00;
	s15 =	simm.s32 $0x6300;
	[smem:$0x7F7] =	sst s24  }
0x39: {  	s29 =	simm.s32 $0x17300;
	s16 =	simm.s32 $0xC300;
	[smem:$0x7F8] =	sst s25  }
0x3a: {  	s30 =	simm.s32 $0x17700;
	s6 =	sand.u32 $0x70, s6;
	[smem:$0x7FA] =	sst s28  }
0x3b: {  	[smem:$0x7FB] =	sst s29;
	s0 =	sadd.s32 s6, s0;
	s6 =	sand.u32 $0x1, s26  }
0x3c: {  	s31 =	simm.s32 $0x17F00;
	[smem:$0x7FC] =	sst s30;
	s7 =	ssub.s32 $0x2, s6  }
0x3d: {  	s18 =	simm.s32 $0x12300;
	[smem:$0x7FD] =	sst s31;
	s8 =	sshrl.u32 s7, $0x1  }
0x3e: {  	s19 =	simm.s32 $0x3;
	s9 =	ssub.s32 s7, s8;
	s8 =	sshll.u32 s21, $0x1  }
0x3f: {  	s20 =	simm.s32 $0x4;
	s22 =	simm.s32 $0x6;
	s6 =	sor.u32 s6, s8  }
0x40: {  	s23 =	simm.s32 $0x7;
	s24 =	simm.s32 $0x8;
	s13 =	smul.u32 $0x1200, s6  }
0x41: {  	s25 =	simm.s32 $0x0;
	s26 =	simm.s32 $0x16700;
	s7 =	simm.s32 $0x10700  }
0x42: {  	s5 =	sadd.s32 $0x1000, s0;
	[smem:$0x7EA] =	sst s7;
	s7 =	sshrl.u32 s13, $0x3  }
0x43: {  	[smem:$0x7F9] =	sst s26;
	s21 =	simm.s32 $0x14700;
	s17 =	smul.u32 $0x180, s7  }
0x44: {  	v2 =	vlaneseq.u32;
	s9 =	smax.u32 s9, $0x1;
	[smem:$0x7F4] =	sst s21;
	s21 =	simm.s32 $0x5  }
0x45: {  	vm0 =	vmmov $0xffff;
	vm1 =	vmmov $0xff;
	v1 =	vshrl.u32 v2, $0x3;
	s6 =	smul.u32 $0x18, s6;
	s13 =	simm.s32 $0x300;
	s8 =	sadd.s32 s2, s17  }
0x46: {  	v0 =	vand.u32 $0x7, v2;
	v2 =	vor.u32 $0x8, v2;
	v1 =	vmul.u32 $0x8, v1;
	s7 =	sadd.s32 $0x100, s1;
	s17 =	simm.s32 $0x2;
	s8 =	sadd.s32 $0x35400, s8  }
.LBB2_1:
0x47: {  	s0 =	simm.s32 $0x80;
	s4 =	simm.s32 $0x400  }
0x48: {  	[tilespmem:s3], [sflag:$0x9] =	stream.strided.gather [hbm4b:s5+s0], $0x100, s4, s0, $0x38;
	[tilespmem:$0x18300] =	vst v63  }
0x49: {  	_ =	swait.ge [sflag:s12], $0x100  }
0x4a: {  	[sflag:s12] =	ssyncset.done $0x0  }
0x4b: {  	s26 =	simm.s32 $0x0;
	[sflag:s12] =	ssyncadd.s32 $0xFFFFFF00  }
.LBB2_2:
0x4c: {  	s28 =	sshll.u32 s26, $0x2  }
0x4d: {  	s0 =	sand.u32 $0xFC, s28  }
0x4e: {  	s0 =	smul.u32 $0xAB, s0  }
0x4f: {  	p0 =	seq.s32 s26, $0x0  }
0x50: {  	s29 =	simm.s32 @!p0 $0x5;
	s0 =	sshrl.u32 s0, $0x9  }
0x51: {  	_ =	swait.ge @!p0 [sflag:s29], $0x6000;
	s30 =	sadd.s32 s0, s28  }
0x52: {  	[sflag:s29] =	ssyncset.done @!p0 $0x0;
	s30 =	sshll.u32 s30, $0x6  }
0x53: {  	[sflag:s29] =	ssyncadd.s32 @!p0 $0xFFFFA000;
	s29 =	sand.u32 $0xC0, s30  }
0x54: {  	v3 =	vld [tilespmem:s29+$0x0];
	_ =	sdelay $0x1  }
0x55: {  	s30 =	sadd.s32 s0, s6  }
0x56: {  	s0 =	smul.u32 $0x180, s30;
	_ =	sdelay $0x1  }
0x57: {  	v4 =	vadd.s32 s0, v3  }
0x58: {  	[tilespmem:$0x100] =	vst v4  }
0x59: {  	v5 =	vld [tilespmem:s29+$0x10];
	_ =	sdelay $0x4  }
0x5a: {  	v5 =	vadd.s32 s0, v5  }
0x5b: {  	[tilespmem:$0x110] =	vst v5  }
0x5c: {  	v5 =	vld [tilespmem:s29+$0x20];
	_ =	sdelay $0x2  }
0x5d: {  	v4 =	vshrl.u32 v4, $0x3  }
0x5e: {  	v4 =	vmul.u32 $0x18, v4  }
0x5f: {  	v3 =	vand.u32 $0x7, v3;
	v5 =	vadd.s32 s0, v5  }
0x60: {  	v3 =	vor.u32 v3, v4;
	[tilespmem:$0x120] =	vst v5  }
0x61: {  	v39 =	vperm.xlane v3, v0;
	v38 =	vld [tilespmem:s29+$0x30];
	_ =	sdelay $0x1  }
0x62: {  	v5 =	vadd.s32 v1, v39;
	_ =	sdelay $0x1  }
0x63: {  	v3 =	vperm.xlane v3, v2  }
0x64: {  	v4 =	vadd.s32 s0, v38  }
0x65: {  	v3 =	vadd.s32 v1, v3;
	[tilespmem:$0x130] =	vst v4  }
0x66: {  	[tilespmem:s13], [sflag:$0x1] =	stream.indirect_vreg.gather [hbm4b:s1+s3], $0x80, v5, vm0, $0xb8;
	[tilespmem:$0x18300] =	vst v63  }
0x67: {  	s10 =	rddreg [dreg:$0x4]  }
0x68: {  	[tilespmem:s10], [sflag:$0x1] =	stream.indirect_vreg.gather [hbm4b:s7+s3], $0x80, v5, vm1, $0xb8;
	[tilespmem:$0x18300] =	vst v63  }
0x69: {  	s31 =	rddreg [dreg:$0x5]  }
0x6a: {  	[tilespmem:s31], [sflag:$0x1] =	stream.indirect_vreg.gather [hbm4b:s1+s3], $0x80, v3, vm0, $0xb8;
	[tilespmem:$0x18300] =	vst v63  }
0x6b: {  	s11 =	rddreg [dreg:$0x6]  }
0x6c: {  	[tilespmem:s11], [sflag:$0x1] =	stream.indirect_vreg.gather [hbm4b:s7+s3], $0x80, v3, vm1, $0xb8;
	[tilespmem:$0x18300] =	vst v63  }
0x6d: {  	v3 =	vld [tilespmem:$0x110];
	_ =	sdelay $0x4  }
0x6e: {  	v40 =	vshrl.u32 v3, $0x3  }
0x6f: {  	v4 =	vmul.u32 $0x18, v40  }
0x70: {  	v3 =	vand.u32 $0x7, v3  }
0x71: {  	v3 =	vor.u32 v3, v4  }
0x72: {  	v4 =	vperm.xlane v3, v0;
	_ =	sdelay $0x1  }
0x73: {  	v4 =	vadd.s32 v1, v4;
	_ =	sdelay $0x1  }
0x74: {  	v3 =	vperm.xlane v3, v2;
	_ =	sdelay $0x1  }
0x75: {  	s4 =	rddreg [dreg:$0x7];
	v3 =	vadd.s32 v1, v3  }
0x76: {  	[tilespmem:s4], [sflag:$0x1] =	stream.indirect_vreg.gather [hbm4b:s1+s3], $0x80, v4, vm0, $0xb8;
	[tilespmem:$0x18300] =	vst v63  }
0x77: {  	s10 =	rddreg [dreg:$0x8]  }
0x78: {  	[tilespmem:s10], [sflag:$0x1] =	stream.indirect_vreg.gather [hbm4b:s7+s3], $0x80, v4, vm1, $0xb8;
	[tilespmem:$0x18300] =	vst v63  }
0x79: {  	s11 =	rddreg [dreg:$0x9]  }
0x7a: {  	[tilespmem:s11], [sflag:$0x1] =	stream.indirect_vreg.gather [hbm4b:s1+s3], $0x80, v3, vm0, $0xb8;
	[tilespmem:$0x18300] =	vst v63  }
0x7b: {  	s4 =	rddreg [dreg:$0xa]  }
0x7c: {  	[tilespmem:s4], [sflag:$0x1] =	stream.indirect_vreg.gather [hbm4b:s7+s3], $0x80, v3, vm1, $0xb8;
	[tilespmem:$0x18300] =	vst v63  }
0x7d: {  	v3 =	vld [tilespmem:$0x120];
	_ =	sdelay $0x4  }
0x7e: {  	v41 =	vshrl.u32 v3, $0x3  }
0x7f: {  	v4 =	vmul.u32 $0x18, v41  }
0x80: {  	v3 =	vand.u32 $0x7, v3  }
0x81: {  	v3 =	vor.u32 v3, v4  }
0x82: {  	v4 =	vperm.xlane v3, v0;
	_ =	sdelay $0x1  }
0x83: {  	v4 =	vadd.s32 v1, v4;
	_ =	sdelay $0x1  }
0x84: {  	v3 =	vperm.xlane v3, v2;
	_ =	sdelay $0x1  }
0x85: {  	s10 =	rddreg [dreg:$0xb];
	v3 =	vadd.s32 v1, v3  }
0x86: {  	[tilespmem:s10], [sflag:$0x1] =	stream.indirect_vreg.gather [hbm4b:s1+s3], $0x80, v4, vm0, $0xb8;
	[tilespmem:$0x18300] =	vst v63  }
0x87: {  	s11 =	rddreg [dreg:$0xc]  }
0x88: {  	[tilespmem:s11], [sflag:$0x1] =	stream.indirect_vreg.gather [hbm4b:s7+s3], $0x80, v4, vm1, $0xb8;
	[tilespmem:$0x18300] =	vst v63  }
0x89: {  	s4 =	rddreg [dreg:$0xd]  }
0x8a: {  	[tilespmem:s4], [sflag:$0x1] =	stream.indirect_vreg.gather [hbm4b:s1+s3], $0x80, v3, vm0, $0xb8;
	[tilespmem:$0x18300] =	vst v63  }
0x8b: {  	s10 =	rddreg [dreg:$0xe]  }
0x8c: {  	[tilespmem:s10], [sflag:$0x1] =	stream.indirect_vreg.gather [hbm4b:s7+s3], $0x80, v3, vm1, $0xb8;
	[tilespmem:$0x18300] =	vst v63  }
0x8d: {  	v3 =	vld [tilespmem:$0x130];
	_ =	sdelay $0x4  }
0x8e: {  	v42 =	vshrl.u32 v3, $0x3  }
0x8f: {  	v4 =	vmul.u32 $0x18, v42  }
0x90: {  	v3 =	vand.u32 $0x7, v3  }
0x91: {  	v3 =	vor.u32 v3, v4  }
0x92: {  	v4 =	vperm.xlane v3, v0;
	_ =	sdelay $0x1  }
0x93: {  	v4 =	vadd.s32 v1, v4;
	_ =	sdelay $0x3  }
0x94: {  	s11 =	rddreg [dreg:$0xf];
	v3 =	vperm.xlane v3, v2  }
0x95: {  	[tilespmem:s11], [sflag:$0x1] =	stream.indirect_vreg.gather [hbm4b:s1+s3], $0x80, v4, vm0, $0xb8;
	[tilespmem:$0x18300] =	vst v63  }
0x96: {  	s0 =	sadd.s32 @!p0 $0xFFFFFFFF, s28;
	s4 =	rddreg [dreg:$0x10];
	v3 =	vadd.s32 v1, v3  }
0x97: {  	[tilespmem:s4], [sflag:$0x1] =	stream.indirect_vreg.gather [hbm4b:s7+s3], $0x80, v4, vm1, $0xb8;
	[tilespmem:$0x18300] =	vst v63  }
0x98: {  	s4 =	sshll.u32 @!p0 s0, $0x18  }
0x99: {  	s4 =	sshra.s32 @!p0 s4, $0x18  }
0x9a: {  	s10 =	rddreg [dreg:$0x11];
	s4 =	smul.u32 @!p0 $0x56, s4  }
0x9b: {  	[tilespmem:s10], [sflag:$0x1] =	stream.indirect_vreg.gather [hbm4b:s1+s3], $0x80, v3, vm0, $0xb8;
	[tilespmem:$0x18300] =	vst v63  }
0x9c: {  	s10 =	sshrl.u32 @!p0 s4, $0x1F;
	s4 =	sshrl.u32 @!p0 s4, $0x8  }
0x9d: {  	s4 =	sadd.s32 @!p0 s10, s4  }
0x9e: {  	s11 =	rddreg [dreg:$0x12];
	s10 =	smul.u32 @!p0 $0xFFFFFFFD, s4  }
0x9f: {  	[tilespmem:s11], [sflag:$0x1] =	stream.indirect_vreg.gather [hbm4b:s7+s3], $0x80, v3, vm1, $0xb8;
	[tilespmem:$0x18300] =	vst v63  }
0xa0: {  	s0 =	sadd.s32 @!p0 s0, s10  }
0xa1: {  	s4 =	sshll.u32 @!p0 s4, $0x18;
	s0 =	sshll.u32 @!p0 s0, $0x18  }
0xa2: {  	s4 =	sshra.s32 @!p0 s4, $0x18;
	s0 =	sshra.s32 @!p0 s0, $0x18  }
0xa3: {  	s4 =	sadd.s32 @!p0 s4, s6;
	p1 =	slt.s32 @!p0 s0, $0x0;
	s0 =	sshll.u32 @!p0 s0, $0x6  }
0xa4: {  	s4 =	smul.u32 @!p0 $0xC0, s4;
	s10 =	sadd.s32 @!p0 $0xC0, s0;
	p1 =	por !p1, p0  }
0xa5: {  	s10 =	smov.u32 @p1 s0  }
0xa6: {  	s0 =	sadd.s32 @!p0 s4, s10;
	s4 =	simm.s32 @!p0 $0x4  }
0xa7: {  	s10 =	sor.u32 @!p0 $0x1, s28;
	s0 =	sshrl.u32 @!p0 s0, $0x3;
	_ =	swait.ge @!p0 [sflag:s4], $0x6000  }
0xa8: {  	s10 =	simm.s32 @p0 $0x1;
	s0 =	smul.u32 @!p0 $0x180, s0;
	[sflag:s4] =	ssyncset.done @!p0 $0x0  }
0xa9: {  	s31 =	simm.s32 @!p0 $0x0;
	[sflag:s4] =	ssyncadd.s32 @!p0 $0xFFFFA000;
	s4 =	sand.u32 $0xFF, s10  }
0xaa: {  	s11 =	simm.s32 @!p0 $0x12300;
	s0 =	sadd.s32 @!p0 s2, s0;
	s4 =	smul.u32 $0xAB, s4  }
0xab: {  	[hbm4b:s0+s31] =	stream.linear.scatter @!p0 [tilespmem:s11], [sflag:$0x8], $0x6000, $0x38;
	[tilespmem:$0x18300] =	vst v63  }
0xac: {  	s0 =	simm.s32 @!p0 $0x6;
	s4 =	sshrl.u32 s4, $0x9  }
0xad: {  	_ =	swait.ge @!p0 [sflag:s0], $0x6000;
	s10 =	sadd.s32 s4, s10  }
0xae: {  	[sflag:s0] =	ssyncset.done @!p0 $0x0;
	s10 =	sshll.u32 s10, $0x6  }
0xaf: {  	[sflag:s0] =	ssyncadd.s32 @!p0 $0xFFFFA000;
	s31 =	sand.u32 $0xC0, s10  }
0xb0: {  	v3 =	vld [tilespmem:s31+$0x0];
	_ =	sdelay $0x1  }
0xb1: {  	s0 =	sadd.s32 s4, s6  }
0xb2: {  	s4 =	smul.u32 $0x180, s0;
	_ =	sdelay $0x1  }
0xb3: {  	v43 =	vadd.s32 s4, v3  }
0xb4: {  	[tilespmem:$0x180] =	vst v43  }
0xb5: {  	v44 =	vld [tilespmem:s31+$0x10];
	_ =	sdelay $0x4  }
0xb6: {  	v5 =	vadd.s32 s4, v44  }
0xb7: {  	[tilespmem:$0x190] =	vst v5  }
0xb8: {  	v5 =	vld [tilespmem:s31+$0x20];
	_ =	sdelay $0x2  }
0xb9: {  	v4 =	vshrl.u32 v43, $0x3  }
0xba: {  	v4 =	vmul.u32 $0x18, v4  }
0xbb: {  	v3 =	vand.u32 $0x7, v3;
	v5 =	vadd.s32 s4, v5  }
0xbc: {  	v3 =	vor.u32 v3, v4;
	[tilespmem:$0x1A0] =	vst v5  }
0xbd: {  	v46 =	vperm.xlane v3, v0;
	v45 =	vld [tilespmem:s31+$0x30];
	_ =	sdelay $0x1  }
0xbe: {  	v5 =	vadd.s32 v1, v46;
	_ =	sdelay $0x1  }
0xbf: {  	v3 =	vperm.xlane v3, v2  }
0xc0: {  	v4 =	vadd.s32 s4, v45  }
0xc1: {  	v3 =	vadd.s32 v1, v3;
	[tilespmem:$0x1B0] =	vst v4  }
0xc2: {  	[tilespmem:s15], [sflag:$0x2] =	stream.indirect_vreg.gather [hbm4b:s1+s3], $0x80, v5, vm0, $0xb8;
	[tilespmem:$0x18300] =	vst v63  }
0xc3: {  	s11 =	rddreg [dreg:$0x13]  }
0xc4: {  	[tilespmem:s11], [sflag:$0x2] =	stream.indirect_vreg.gather [hbm4b:s7+s3], $0x80, v5, vm1, $0xb8;
	[tilespmem:$0x18300] =	vst v63  }
0xc5: {  	s10 =	rddreg [dreg:$0x14]  }
0xc6: {  	[tilespmem:s10], [sflag:$0x2] =	stream.indirect_vreg.gather [hbm4b:s1+s3], $0x80, v3, vm0, $0xb8;
	[tilespmem:$0x18300] =	vst v63  }
0xc7: {  	s11 =	rddreg [dreg:$0x15]  }
0xc8: {  	[tilespmem:s11], [sflag:$0x2] =	stream.indirect_vreg.gather [hbm4b:s7+s3], $0x80, v3, vm1, $0xb8;
	[tilespmem:$0x18300] =	vst v63  }
0xc9: {  	v3 =	vld [tilespmem:$0x190];
	_ =	sdelay $0x4  }
0xca: {  	v47 =	vshrl.u32 v3, $0x3  }
0xcb: {  	v4 =	vmul.u32 $0x18, v47  }
0xcc: {  	v3 =	vand.u32 $0x7, v3  }
0xcd: {  	v3 =	vor.u32 v3, v4  }
0xce: {  	v4 =	vperm.xlane v3, v0;
	_ =	sdelay $0x1  }
0xcf: {  	v4 =	vadd.s32 v1, v4;
	_ =	sdelay $0x1  }
0xd0: {  	v3 =	vperm.xlane v3, v2;
	_ =	sdelay $0x1  }
0xd1: {  	s10 =	rddreg [dreg:$0x16];
	v3 =	vadd.s32 v1, v3  }
0xd2: {  	[tilespmem:s10], [sflag:$0x2] =	stream.indirect_vreg.gather [hbm4b:s1+s3], $0x80, v4, vm0, $0xb8;
	[tilespmem:$0x18300] =	vst v63  }
0xd3: {  	s11 =	rddreg [dreg:$0x17]  }
0xd4: {  	[tilespmem:s11], [sflag:$0x2] =	stream.indirect_vreg.gather [hbm4b:s7+s3], $0x80, v4, vm1, $0xb8;
	[tilespmem:$0x18300] =	vst v63  }
0xd5: {  	s4 =	rddreg [dreg:$0x18]  }
0xd6: {  	[tilespmem:s4], [sflag:$0x2] =	stream.indirect_vreg.gather [hbm4b:s1+s3], $0x80, v3, vm0, $0xb8;
	[tilespmem:$0x18300] =	vst v63  }
0xd7: {  	s11 =	rddreg [dreg:$0x19]  }
0xd8: {  	[tilespmem:s11], [sflag:$0x2] =	stream.indirect_vreg.gather [hbm4b:s7+s3], $0x80, v3, vm1, $0xb8;
	[tilespmem:$0x18300] =	vst v63  }
0xd9: {  	v3 =	vld [tilespmem:$0x1A0];
	_ =	sdelay $0x4  }
0xda: {  	v48 =	vshrl.u32 v3, $0x3  }
0xdb: {  	v4 =	vmul.u32 $0x18, v48  }
0xdc: {  	v3 =	vand.u32 $0x7, v3  }
0xdd: {  	v3 =	vor.u32 v3, v4  }
0xde: {  	v4 =	vperm.xlane v3, v0;
	_ =	sdelay $0x1  }
0xdf: {  	v4 =	vadd.s32 v1, v4;
	_ =	sdelay $0x1  }
0xe0: {  	v3 =	vperm.xlane v3, v2;
	_ =	sdelay $0x1  }
0xe1: {  	s10 =	rddreg [dreg:$0x1a];
	v3 =	vadd.s32 v1, v3  }
0xe2: {  	[tilespmem:s10], [sflag:$0x2] =	stream.indirect_vreg.gather [hbm4b:s1+s3], $0x80, v4, vm0, $0xb8;
	[tilespmem:$0x18300] =	vst v63  }
0xe3: {  	s11 =	rddreg [dreg:$0x1b]  }
0xe4: {  	[tilespmem:s11], [sflag:$0x2] =	stream.indirect_vreg.gather [hbm4b:s7+s3], $0x80, v4, vm1, $0xb8;
	[tilespmem:$0x18300] =	vst v63  }
0xe5: {  	s4 =	rddreg [dreg:$0x1c]  }
0xe6: {  	[tilespmem:s4], [sflag:$0x2] =	stream.indirect_vreg.gather [hbm4b:s1+s3], $0x80, v3, vm0, $0xb8;
	[tilespmem:$0x18300] =	vst v63  }
0xe7: {  	s11 =	rddreg [dreg:$0x1d]  }
0xe8: {  	[tilespmem:s11], [sflag:$0x2] =	stream.indirect_vreg.gather [hbm4b:s7+s3], $0x80, v3, vm1, $0xb8;
	[tilespmem:$0x18300] =	vst v63  }
0xe9: {  	v3 =	vld [tilespmem:$0x1B0];
	_ =	sdelay $0x4  }
0xea: {  	v49 =	vshrl.u32 v3, $0x3  }
0xeb: {  	v4 =	vmul.u32 $0x18, v49  }
0xec: {  	v3 =	vand.u32 $0x7, v3  }
0xed: {  	v3 =	vor.u32 v3, v4  }
0xee: {  	v4 =	vperm.xlane v3, v0;
	_ =	sdelay $0x1  }
0xef: {  	v4 =	vadd.s32 v1, v4;
	_ =	sdelay $0x1  }
0xf0: {  	v3 =	vperm.xlane v3, v2  }
0xf1: {  	s10 =	rddreg [dreg:$0x1f]  }
0xf2: {  	s11 =	rddreg [dreg:$0x1e];
	v3 =	vadd.s32 v1, v3  }
0xf3: {  	[tilespmem:s11], [sflag:$0x2] =	stream.indirect_vreg.gather [hbm4b:s1+s3], $0x80, v4, vm0, $0xb8;
	[tilespmem:$0x18300] =	vst v63  }
0xf4: {  	s11 =	sld [smem:$0x7DE]  }
0xf5: {  	[tilespmem:s10], [sflag:$0x2] =	stream.indirect_vreg.gather [hbm4b:s7+s3], $0x80, v4, vm1, $0xb8;
	[tilespmem:$0x18300] =	vst v63  }
0xf6: {  	s10 =	sld [smem:$0x7DF]  }
0xf7: {  	[tilespmem:s11], [sflag:$0x2] =	stream.indirect_vreg.gather [hbm4b:s1+s3], $0x80, v3, vm0, $0xb8;
	[tilespmem:$0x18300] =	vst v63  }
0xf8: {  	s11 =	smul.u32 $0xC0, s30  }
0xf9: {  	[tilespmem:s10], [sflag:$0x2] =	stream.indirect_vreg.gather [hbm4b:s7+s3], $0x80, v3, vm1, $0xb8;
	[tilespmem:$0x18300] =	vst v63  }
0xfa: {  	s4 =	sadd.s32 s29, s11  }
0xfb: {  	s4 =	sshrl.u32 s4, $0x3  }
0xfc: {  	s29 =	sor.u32 $0x2, s28;
	_ =	swait.ge [sflag:s14], $0x6000;
	s4 =	smul.u32 $0x180, s4  }
0xfd: {  	s30 =	sand.u32 $0xFF, s29;
	[sflag:s14] =	ssyncset.done $0x0  }
0xfe: {  	s11 =	smul.u32 $0xAB, s30;
	[sflag:s14] =	ssyncadd.s32 $0xFFFFA000;
	s4 =	sadd.s32 s2, s4  }
0xff: {  	[hbm4b:s4+s3] =	stream.linear.scatter [tilespmem:s13], [sflag:$0x5], $0x6000, $0x38;
	[tilespmem:$0x18300] =	vst v63  }
0x100: {  	s11 =	sshrl.u32 s11, $0x9;
	s4 =	simm.s32 @!p0 $0x7  }
0x101: {  	s10 =	sadd.s32 s11, s29;
	_ =	swait.ge @!p0 [sflag:s4], $0x6000  }
0x102: {  	s10 =	sshll.u32 s10, $0x6;
	[sflag:s4] =	ssyncset.done @!p0 $0x0  }
0x103: {  	s29 =	sand.u32 $0xC0, s10;
	[sflag:s4] =	ssyncadd.s32 @!p0 $0xFFFFA000  }
0x104: {  	v3 =	vld [tilespmem:s29+$0x0];
	_ =	sdelay $0x1  }
0x105: {  	s30 =	sadd.s32 s11, s6  }
0x106: {  	s10 =	smul.u32 $0x180, s30;
	_ =	sdelay $0x1  }
0x107: {  	v50 =	vadd.s32 s10, v3  }
0x108: {  	[tilespmem:$0x200] =	vst v50  }
0x109: {  	v51 =	vld [tilespmem:s29+$0x10];
	_ =	sdelay $0x4  }
0x10a: {  	v5 =	vadd.s32 s10, v51  }
0x10b: {  	[tilespmem:$0x210] =	vst v5  }
0x10c: {  	v5 =	vld [tilespmem:s29+$0x20];
	_ =	sdelay $0x2  }
0x10d: {  	v4 =	vshrl.u32 v50, $0x3  }
0x10e: {  	v4 =	vmul.u32 $0x18, v4  }
0x10f: {  	v3 =	vand.u32 $0x7, v3;
	v5 =	vadd.s32 s10, v5  }
0x110: {  	v3 =	vor.u32 v3, v4;
	[tilespmem:$0x220] =	vst v5  }
0x111: {  	v53 =	vperm.xlane v3, v0;
	v52 =	vld [tilespmem:s29+$0x30];
	_ =	sdelay $0x1  }
0x112: {  	v5 =	vadd.s32 v1, v53;
	_ =	sdelay $0x1  }
0x113: {  	v3 =	vperm.xlane v3, v2  }
0x114: {  	v4 =	vadd.s32 s10, v52  }
0x115: {  	s11 =	sld [smem:$0x7E0];
	v3 =	vadd.s32 v1, v3;
	[tilespmem:$0x230] =	vst v4  }
0x116: {  	[tilespmem:s16], [sflag:$0x3] =	stream.indirect_vreg.gather [hbm4b:s1+s3], $0x80, v5, vm0, $0xb8;
	[tilespmem:$0x18300] =	vst v63  }
0x117: {  	s10 =	sld [smem:$0x7E1]  }
0x118: {  	[tilespmem:s11], [sflag:$0x3] =	stream.indirect_vreg.gather [hbm4b:s7+s3], $0x80, v5, vm1, $0xb8;
	[tilespmem:$0x18300] =	vst v63  }
0x119: {  	s11 =	sld [smem:$0x7E2]  }
0x11a: {  	[tilespmem:s10], [sflag:$0x3] =	stream.indirect_vreg.gather [hbm4b:s1+s3], $0x80, v3, vm0, $0xb8;
	[tilespmem:$0x18300] =	vst v63  }
0x11b: {  	_ = 	snop  }
0x11c: {  	[tilespmem:s11], [sflag:$0x3] =	stream.indirect_vreg.gather [hbm4b:s7+s3], $0x80, v3, vm1, $0xb8;
	[tilespmem:$0x18300] =	vst v63  }
0x11d: {  	v3 =	vld [tilespmem:$0x210];
	_ =	sdelay $0x4  }
0x11e: {  	v54 =	vshrl.u32 v3, $0x3  }
0x11f: {  	v4 =	vmul.u32 $0x18, v54  }
0x120: {  	v3 =	vand.u32 $0x7, v3  }
0x121: {  	v3 =	vor.u32 v3, v4  }
0x122: {  	v4 =	vperm.xlane v3, v0;
	_ =	sdelay $0x1  }
0x123: {  	v4 =	vadd.s32 v1, v4;
	_ =	sdelay $0x1  }
0x124: {  	s10 =	sld [smem:$0x7E3];
	v3 =	vperm.xlane v3, v2;
	_ =	sdelay $0x1  }
0x125: {  	s11 =	sld [smem:$0x7E4];
	v3 =	vadd.s32 v1, v3  }
0x126: {  	[tilespmem:s10], [sflag:$0x3] =	stream.indirect_vreg.gather [hbm4b:s1+s3], $0x80, v4, vm0, $0xb8;
	[tilespmem:$0x18300] =	vst v63  }
0x127: {  	s4 =	sld [smem:$0x7E5]  }
0x128: {  	[tilespmem:s11], [sflag:$0x3] =	stream.indirect_vreg.gather [hbm4b:s7+s3], $0x80, v4, vm1, $0xb8;
	[tilespmem:$0x18300] =	vst v63  }
0x129: {  	s11 =	sld [smem:$0x7E6]  }
0x12a: {  	[tilespmem:s4], [sflag:$0x3] =	stream.indirect_vreg.gather [hbm4b:s1+s3], $0x80, v3, vm0, $0xb8;
	[tilespmem:$0x18300] =	vst v63  }
0x12b: {  	_ = 	snop  }
0x12c: {  	[tilespmem:s11], [sflag:$0x3] =	stream.indirect_vreg.gather [hbm4b:s7+s3], $0x80, v3, vm1, $0xb8;
	[tilespmem:$0x18300] =	vst v63  }
0x12d: {  	v3 =	vld [tilespmem:$0x220];
	_ =	sdelay $0x4  }
0x12e: {  	v55 =	vshrl.u32 v3, $0x3  }
0x12f: {  	v4 =	vmul.u32 $0x18, v55  }
0x130: {  	v3 =	vand.u32 $0x7, v3  }
0x131: {  	v3 =	vor.u32 v3, v4  }
0x132: {  	v4 =	vperm.xlane v3, v0;
	_ =	sdelay $0x1  }
0x133: {  	v4 =	vadd.s32 v1, v4;
	_ =	sdelay $0x1  }
0x134: {  	s10 =	sld [smem:$0x7E7];
	v3 =	vperm.xlane v3, v2;
	_ =	sdelay $0x1  }
0x135: {  	s11 =	sld [smem:$0x7E8];
	v3 =	vadd.s32 v1, v3  }
0x136: {  	[tilespmem:s10], [sflag:$0x3] =	stream.indirect_vreg.gather [hbm4b:s1+s3], $0x80, v4, vm0, $0xb8;
	[tilespmem:$0x18300] =	vst v63  }
0x137: {  	s4 =	sld [smem:$0x7E9]  }
0x138: {  	[tilespmem:s11], [sflag:$0x3] =	stream.indirect_vreg.gather [hbm4b:s7+s3], $0x80, v4, vm1, $0xb8;
	[tilespmem:$0x18300] =	vst v63  }
0x139: {  	s11 =	sld [smem:$0x7EA]  }
0x13a: {  	[tilespmem:s4], [sflag:$0x3] =	stream.indirect_vreg.gather [hbm4b:s1+s3], $0x80, v3, vm0, $0xb8;
	[tilespmem:$0x18300] =	vst v63  }
0x13b: {  	_ = 	snop  }
0x13c: {  	[tilespmem:s11], [sflag:$0x3] =	stream.indirect_vreg.gather [hbm4b:s7+s3], $0x80, v3, vm1, $0xb8;
	[tilespmem:$0x18300] =	vst v63  }
0x13d: {  	v3 =	vld [tilespmem:$0x230];
	_ =	sdelay $0x4  }
0x13e: {  	v56 =	vshrl.u32 v3, $0x3  }
0x13f: {  	v4 =	vmul.u32 $0x18, v56  }
0x140: {  	v3 =	vand.u32 $0x7, v3  }
0x141: {  	v3 =	vor.u32 v3, v4  }
0x142: {  	v4 =	vperm.xlane v3, v0;
	_ =	sdelay $0x1  }
0x143: {  	v4 =	vadd.s32 v1, v4;
	_ =	sdelay $0x1  }
0x144: {  	s10 =	sld [smem:$0x7EB];
	v3 =	vperm.xlane v3, v2;
	_ =	sdelay $0x1  }
0x145: {  	s11 =	sld [smem:$0x7EC];
	v3 =	vadd.s32 v1, v3  }
0x146: {  	[tilespmem:s10], [sflag:$0x3] =	stream.indirect_vreg.gather [hbm4b:s1+s3], $0x80, v4, vm0, $0xb8;
	[tilespmem:$0x18300] =	vst v63  }
0x147: {  	s0 =	smul.u32 $0xC0, s0;
	s4 =	sld [smem:$0x7ED]  }
0x148: {  	[tilespmem:s11], [sflag:$0x3] =	stream.indirect_vreg.gather [hbm4b:s7+s3], $0x80, v4, vm1, $0xb8;
	[tilespmem:$0x18300] =	vst v63  }
0x149: {  	s0 =	sadd.s32 s31, s0;
	s11 =	sld [smem:$0x7EE]  }
0x14a: {  	[tilespmem:s4], [sflag:$0x3] =	stream.indirect_vreg.gather [hbm4b:s1+s3], $0x80, v3, vm0, $0xb8;
	[tilespmem:$0x18300] =	vst v63  }
0x14b: {  	s0 =	sshrl.u32 s0, $0x3  }
0x14c: {  	[tilespmem:s11], [sflag:$0x3] =	stream.indirect_vreg.gather [hbm4b:s7+s3], $0x80, v3, vm1, $0xb8;
	[tilespmem:$0x18300] =	vst v63  }
0x14d: {  	s0 =	smul.u32 $0x180, s0;
	s28 =	sor.u32 $0x3, s28;
	_ =	swait.ge [sflag:s17], $0x6000  }
0x14e: {  	s4 =	sand.u32 $0xFF, s28;
	[sflag:s17] =	ssyncset.done $0x0  }
0x14f: {  	s0 =	sadd.s32 s2, s0;
	s4 =	smul.u32 $0xAB, s4;
	[sflag:s17] =	ssyncadd.s32 $0xFFFFA000  }
0x150: {  	[hbm4b:s0+s3] =	stream.linear.scatter [tilespmem:s15], [sflag:$0x6], $0x6000, $0x38;
	[tilespmem:$0x18300] =	vst v63  }
0x151: {  	s4 =	sshrl.u32 s4, $0x9;
	s0 =	simm.s32 @!p0 $0x8  }
0x152: {  	s31 =	sshll.u32 s4, $0x6;
	_ =	swait.ge @!p0 [sflag:s0], $0x6000  }
0x153: {  	s10 =	sadd.s32 $0xFFFFFFC0, s31;
	[sflag:s0] =	ssyncset.done @!p0 $0x0  }
0x154: {  	s10 =	sand.u32 $0xC0, s10;
	[sflag:s0] =	ssyncadd.s32 @!p0 $0xFFFFA000  }
0x155: {  	v3 =	vld [tilespmem:s10+$0x0];
	_ =	sdelay $0x1  }
0x156: {  	s4 =	sadd.s32 s4, s6  }
0x157: {  	s4 =	smul.u32 $0x180, s4;
	_ =	sdelay $0x1  }
0x158: {  	v57 =	vadd.s32 s4, v3  }
0x159: {  	[tilespmem:$0x280] =	vst v57  }
0x15a: {  	v58 =	vld [tilespmem:s10+$0x10];
	_ =	sdelay $0x4  }
0x15b: {  	v5 =	vadd.s32 s4, v58  }
0x15c: {  	[tilespmem:$0x290] =	vst v5  }
0x15d: {  	v5 =	vld [tilespmem:s10+$0x20];
	_ =	sdelay $0x2  }
0x15e: {  	v4 =	vshrl.u32 v57, $0x3  }
0x15f: {  	v4 =	vmul.u32 $0x18, v4  }
0x160: {  	v3 =	vand.u32 $0x7, v3;
	v5 =	vadd.s32 s4, v5  }
0x161: {  	v3 =	vor.u32 v3, v4;
	[tilespmem:$0x2A0] =	vst v5  }
0x162: {  	v60 =	vperm.xlane v3, v0;
	v59 =	vld [tilespmem:s10+$0x30];
	_ =	sdelay $0x1  }
0x163: {  	v5 =	vadd.s32 v1, v60;
	_ =	sdelay $0x1  }
0x164: {  	v3 =	vperm.xlane v3, v2  }
0x165: {  	v4 =	vadd.s32 s4, v59  }
0x166: {  	s11 =	sld [smem:$0x7EF];
	v3 =	vadd.s32 v1, v3;
	[tilespmem:$0x2B0] =	vst v4  }
0x167: {  	[tilespmem:s18], [sflag:$0x4] =	stream.indirect_vreg.gather [hbm4b:s1+s3], $0x80, v5, vm0, $0xb8;
	[tilespmem:$0x18300] =	vst v63  }
0x168: {  	s28 =	sld [smem:$0x7F0]  }
0x169: {  	[tilespmem:s11], [sflag:$0x4] =	stream.indirect_vreg.gather [hbm4b:s7+s3], $0x80, v5, vm1, $0xb8;
	[tilespmem:$0x18300] =	vst v63  }
0x16a: {  	s31 =	sld [smem:$0x7F1]  }
0x16b: {  	[tilespmem:s28], [sflag:$0x4] =	stream.indirect_vreg.gather [hbm4b:s1+s3], $0x80, v3, vm0, $0xb8;
	[tilespmem:$0x18300] =	vst v63  }
0x16c: {  	_ = 	snop  }
0x16d: {  	[tilespmem:s31], [sflag:$0x4] =	stream.indirect_vreg.gather [hbm4b:s7+s3], $0x80, v3, vm1, $0xb8;
	[tilespmem:$0x18300] =	vst v63  }
0x16e: {  	v3 =	vld [tilespmem:$0x290];
	_ =	sdelay $0x4  }
0x16f: {  	v61 =	vshrl.u32 v3, $0x3  }
0x170: {  	v4 =	vmul.u32 $0x18, v61  }
0x171: {  	v3 =	vand.u32 $0x7, v3  }
0x172: {  	v3 =	vor.u32 v3, v4  }
0x173: {  	v4 =	vperm.xlane v3, v0;
	_ =	sdelay $0x1  }
0x174: {  	v4 =	vadd.s32 v1, v4;
	_ =	sdelay $0x1  }
0x175: {  	s10 =	sld [smem:$0x7F2];
	v3 =	vperm.xlane v3, v2;
	_ =	sdelay $0x1  }
0x176: {  	s11 =	sld [smem:$0x7F3];
	v3 =	vadd.s32 v1, v3  }
0x177: {  	[tilespmem:s10], [sflag:$0x4] =	stream.indirect_vreg.gather [hbm4b:s1+s3], $0x80, v4, vm0, $0xb8;
	[tilespmem:$0x18300] =	vst v63  }
0x178: {  	s28 =	sld [smem:$0x7F4]  }
0x179: {  	[tilespmem:s11], [sflag:$0x4] =	stream.indirect_vreg.gather [hbm4b:s7+s3], $0x80, v4, vm1, $0xb8;
	[tilespmem:$0x18300] =	vst v63  }
0x17a: {  	s31 =	sld [smem:$0x7F5]  }
0x17b: {  	[tilespmem:s28], [sflag:$0x4] =	stream.indirect_vreg.gather [hbm4b:s1+s3], $0x80, v3, vm0, $0xb8;
	[tilespmem:$0x18300] =	vst v63  }
0x17c: {  	_ = 	snop  }
0x17d: {  	[tilespmem:s31], [sflag:$0x4] =	stream.indirect_vreg.gather [hbm4b:s7+s3], $0x80, v3, vm1, $0xb8;
	[tilespmem:$0x18300] =	vst v63  }
0x17e: {  	v3 =	vld [tilespmem:$0x2A0];
	_ =	sdelay $0x4  }
0x17f: {  	v62 =	vshrl.u32 v3, $0x3  }
0x180: {  	v4 =	vmul.u32 $0x18, v62  }
0x181: {  	v3 =	vand.u32 $0x7, v3  }
0x182: {  	v3 =	vor.u32 v3, v4  }
0x183: {  	v4 =	vperm.xlane v3, v0;
	_ =	sdelay $0x1  }
0x184: {  	v4 =	vadd.s32 v1, v4;
	_ =	sdelay $0x1  }
0x185: {  	s10 =	sld [smem:$0x7F6];
	v3 =	vperm.xlane v3, v2;
	_ =	sdelay $0x1  }
0x186: {  	s11 =	sld [smem:$0x7F7];
	v3 =	vadd.s32 v1, v3  }
0x187: {  	[tilespmem:s10], [sflag:$0x4] =	stream.indirect_vreg.gather [hbm4b:s1+s3], $0x80, v4, vm0, $0xb8;
	[tilespmem:$0x18300] =	vst v63  }
0x188: {  	s28 =	sld [smem:$0x7F8]  }
0x189: {  	[tilespmem:s11], [sflag:$0x4] =	stream.indirect_vreg.gather [hbm4b:s7+s3], $0x80, v4, vm1, $0xb8;
	[tilespmem:$0x18300] =	vst v63  }
0x18a: {  	s31 =	sld [smem:$0x7F9]  }
0x18b: {  	[tilespmem:s28], [sflag:$0x4] =	stream.indirect_vreg.gather [hbm4b:s1+s3], $0x80, v3, vm0, $0xb8;
	[tilespmem:$0x18300] =	vst v63  }
0x18c: {  	_ = 	snop  }
0x18d: {  	[tilespmem:s31], [sflag:$0x4] =	stream.indirect_vreg.gather [hbm4b:s7+s3], $0x80, v3, vm1, $0xb8;
	[tilespmem:$0x18300] =	vst v63  }
0x18e: {  	v3 =	vld [tilespmem:$0x2B0];
	_ =	sdelay $0x4  }
0x18f: {  	v63 =	vshrl.u32 v3, $0x3  }
0x190: {  	v4 =	vmul.u32 $0x18, v63  }
0x191: {  	v3 =	vand.u32 $0x7, v3  }
0x192: {  	v3 =	vor.u32 v3, v4  }
0x193: {  	v4 =	vperm.xlane v3, v0;
	_ =	sdelay $0x1  }
0x194: {  	v4 =	vadd.s32 v1, v4;
	_ =	sdelay $0x1  }
0x195: {  	s4 =	sld [smem:$0x7FA];
	v3 =	vperm.xlane v3, v2;
	_ =	sdelay $0x1  }
0x196: {  	s10 =	sld [smem:$0x7FB];
	v3 =	vadd.s32 v1, v3  }
0x197: {  	[tilespmem:s4], [sflag:$0x4] =	stream.indirect_vreg.gather [hbm4b:s1+s3], $0x80, v4, vm0, $0xb8;
	[tilespmem:$0x18300] =	vst v63  }
0x198: {  	s11 =	sld [smem:$0x7FC]  }
0x199: {  	[tilespmem:s10], [sflag:$0x4] =	stream.indirect_vreg.gather [hbm4b:s7+s3], $0x80, v4, vm1, $0xb8;
	[tilespmem:$0x18300] =	vst v63  }
0x19a: {  	s26 =	sadd.s32 $0x1, s26;
	s28 =	sld [smem:$0x7FD];
	s31 =	smul.u32 $0xC0, s30  }
0x19b: {  	[tilespmem:s11], [sflag:$0x4] =	stream.indirect_vreg.gather [hbm4b:s1+s3], $0x80, v3, vm0, $0xb8;
	[tilespmem:$0x18300] =	vst v63  }
0x19c: {  	p0 =	sne.s32 s26, $0x12;
	s0 =	sadd.s32 s29, s31  }
0x19d: {  	[tilespmem:s28], [sflag:$0x4] =	stream.indirect_vreg.gather [hbm4b:s7+s3], $0x80, v3, vm1, $0xb8;
	[tilespmem:$0x18300] =	vst v63  }
.Ltmp0:
0x19e: {  	s0 =	sshrl.u32 s0, $0x3;
	(pc) =	sbr.rel @p0 .LBB2_2-.Ltmp0, $4  }
0x19f: {  	s0 =	smul.u32 $0x180, s0;
	_ =	swait.ge [sflag:s19], $0x6000  }
0x1a0: {  	[sflag:s19] =	ssyncset.done $0x0  }
0x1a1: {  	s0 =	sadd.s32 s2, s0;
	[sflag:s19] =	ssyncadd.s32 $0xFFFFA000  }
0x1a2: {  	[hbm4b:s0+s3] =	stream.linear.scatter [tilespmem:s16], [sflag:$0x7], $0x6000, $0x38;
	[tilespmem:$0x18300] =	vst v63  }
0x1a3: {  	_ =	swait.ge [sflag:s20], $0x6000  }
0x1a4: {  	[sflag:s20] =	ssyncset.done $0x0  }
0x1a5: {  	[sflag:s20] =	ssyncadd.s32 $0xFFFFA000  }
0x1a6: {  	[hbm4b:s8+s3] =	stream.linear.scatter [tilespmem:s18], [sflag:$0x8], $0x6000, $0x38;
	[tilespmem:$0x18300] =	vst v63  }
0x1a7: {  	_ =	swait.ge [sflag:s21], $0x6000  }
0x1a8: {  	[sflag:s21] =	ssyncset.done $0x0  }
0x1a9: {  	[sflag:s21] =	ssyncadd.s32 $0xFFFFA000  }
0x1aa: {  	_ =	swait.ge [sflag:s22], $0x6000  }
0x1ab: {  	[sflag:s22] =	ssyncset.done $0x0  }
0x1ac: {  	s25 =	sadd.s32 $0x1, s25;
	[sflag:s22] =	ssyncadd.s32 $0xFFFFA000  }
0x1ad: {  	p0 =	sne.s32 s25, s9;
	_ =	swait.ge [sflag:s23], $0x6000  }
.Ltmp1:
0x1ae: {  	[sflag:s23] =	ssyncset.done $0x0;
	(pc) =	sbr.rel @p0 .LBB2_1-.Ltmp1, $4  }
0x1af: {  	[sflag:s23] =	ssyncadd.s32 $0xFFFFA000  }
0x1b0: {  	_ =	swait.ge [sflag:s24], $0x6000  }
0x1b1: {  	[sflag:s24] =	ssyncset.done $0x0  }
0x1b2: {  	[sflag:s24] =	ssyncadd.s32 $0xFFFFA000  }
0x1b3: {  	_ =	sfence.sel $0x180000  }
0x1b4: {  	[bflag:$0x0] =	sbarrier.arrive $0xFFFF  }
0x1b5: {  	_ =	strace $0x90000047  }
0x1b6: {  	s0 =	stileid.u32;
	[bflag:$0x2] =	sbarrier.arrive $0xFFFF  }
0x1b7: {  	p0 =	sne.s32 s0, $0x0;
	s0 =	rddreg [dreg:$0x3]  }
0x1b8: {  	s0 =	sadd.s32 @!p0 $0x100000, s0  }
0x1b9: {  	[sflag:s0] =	ssyncadd.tile.s32 @!p0 $0x1;
	_ =	shalt  }
.Lfunc_end2:
_tile_overlayer_lowered:
.L_overlay_start_2:
0x1ba: {  	(tag) =	ssettag $0x2  }
0x1bb: {  	s0 =	rddreg [dreg:$0x0];
	s2 =	stileid.u32  }
0x1bc: {  	s1 =	rddreg [dreg:$0x1];
	p0 =	sne.s32 s2, $0x0  }
0x1bd: {  	s3 =	rddreg [dreg:$0x2];
	[bflag:$0x3] =	sbarrier.arrive $0xFFFF;
	s2 =	simm.s32 @!p0 $0x1C09  }
0x1be: {  	[timem:s3], [sflag:s2] =	dma.local @!p0 [hbm:s0], s1  }
0x1bf: {  	s0 =	simm.s32 @!p0 $0x9  }
0x1c0: {  	_ =	swait.ge @!p0 [sflag:s0], s1  }
0x1c1: {  	s1 =	ssub.s32 @!p0 $0x0, s1;
	[sflag:s0] =	ssyncset.done @!p0 $0x0  }
0x1c2: {  	[sflag:s0] =	ssyncadd.s32 @!p0 s1  }
0x1c3: {  	[bflag:$0x3] =	sbarrier.arrive $0xFFFF  }
0x1c4: {  	_ =	shalt  }

</sc_bundles>
